<compile_context>
chip_gen: v7x
topology: tpu7x:2x2x1
jax: 0.10.2.dev20260603
libtpu: 0.0.44.dev20260713+nightly
codegen_flags: <defaults>
</compile_context>

<pallas_src>
import functools

import jax
import jax.numpy as jnp
from jax import lax
from jax.experimental import pallas as pl
from jax.experimental.pallas import tpu as pltpu
from jax.experimental.pallas import tpu_sc as plsc

_DIM = 2048
_E = 64
_K = 8
_G = 8
_EPG = _E // _G
_TG = 4
_SCALE = 2.5
_N = 8192
_BT = 256
_NBLK = _N // _BT
_NC = 2
_NS = 16
_NW = _NC * _NS
_FLAT = _N * _K
_CHUNK = _FLAT // _NW
_ROWS = _CHUNK // 16


def _tc_body(x_ref, gate_ref, bias_ref, sel_ref, pack_ref, pdest_ref,
             counts_ref, offs_ref, carry_ref):
    b = pl.program_id(0)

    @pl.when(b == 0)
    def _():
        carry_ref[...] = jnp.zeros_like(carry_ref)

    x = x_ref[...]
    gate = gate_ref[...]
    logits = lax.dot_general(x, gate, (((1,), (1,)), ((), ())),
                             preferred_element_type=jnp.float32)
    scores = jax.nn.sigmoid(logits)
    sfc = scores + bias_ref[...]

    lane = lax.broadcasted_iota(jnp.int32, (_BT, _E), 1)
    grp_of_lane = lane // _EPG
    neg = jnp.float32(-jnp.inf)

    t1 = sfc
    t2 = jnp.full((_BT, _E), neg)
    for k in (1, 2, 4):
        r1 = jnp.roll(t1, -k, axis=1)
        r2 = jnp.roll(t2, -k, axis=1)
        lo = jnp.minimum(t1, r1)
        t1 = jnp.maximum(t1, r1)
        t2 = jnp.maximum(jnp.maximum(t2, r2), lo)
    gsum = t1 + t2

    gidx = grp_of_lane
    rank = jnp.zeros((_BT, _E), jnp.float32)
    for k in range(1, _G):
        rg = jnp.roll(gsum, -_EPG * k, axis=1)
        wrapped = gidx >= _G - k
        beats = jnp.logical_or(rg > gsum,
                               jnp.logical_and(rg == gsum, wrapped))
        rank = rank + jnp.where(beats, 1.0, 0.0)
    gbit = jnp.where(jnp.logical_and(lane % _EPG == 0, rank < _TG), 1.0, 0.0)
    for k in (1, 2, 4):
        gbit = gbit + jnp.roll(gbit, k, axis=1)
    mask64 = gbit > 0.5

    masked = jnp.where(mask64, sfc, neg)
    sel_cols, sc_cols, onehots = [], [], []
    for _ in range(_K):
        m = jnp.max(masked, axis=1, keepdims=True)
        fi = jnp.min(jnp.where(masked == m, lane, _E), axis=1, keepdims=True)
        hit = lane == fi
        sel_cols.append(fi)
        sc_cols.append(jnp.sum(jnp.where(hit, scores, 0.0), axis=1,
                               keepdims=True))
        onehots.append(hit)
        masked = jnp.where(hit, neg, masked)

    sel8 = jnp.concatenate(sel_cols, axis=1)

    w8 = jnp.concatenate(sc_cols, axis=1)
    denom = jnp.sum(w8, axis=1, keepdims=True) + 1e-20
    w8 = w8 / denom * _SCALE

    pack_ref[...] = w8

    counts = jnp.zeros((_BT, _E), jnp.float32)
    prior_cols = []
    for s in range(_K):
        oh = onehots[s].astype(jnp.float32)
        prior_cols.append(jnp.sum(counts * oh, axis=1, keepdims=True))
        counts = counts + oh
    prior = jnp.concatenate(prior_cols, axis=1)

    r_i = lax.broadcasted_iota(jnp.int32, (_BT, _BT), 0)
    c_i = lax.broadcasted_iota(jnp.int32, (_BT, _BT), 1)
    lstrict = (r_i > c_i).astype(jnp.float32)
    cexc = lax.dot_general(lstrict, counts, (((1,), (0,)), ((), ())),
                           precision=lax.Precision.HIGHEST,
                           preferred_element_type=jnp.float32)
    cexc = cexc + carry_ref[...]

    pdest_cols = []
    for s in range(_K):
        oh = onehots[s].astype(jnp.float32)
        pdest_cols.append(jnp.sum(cexc * oh, axis=1, keepdims=True))
    pdest = jnp.concatenate(pdest_cols, axis=1) + prior

    sel_ref[...] = sel8
    pdest_ref[...] = pdest.astype(jnp.int32)

    new_carry = carry_ref[...] + jnp.sum(counts, axis=0, keepdims=True)
    carry_ref[...] = new_carry
    counts_ref[...] = new_carry.astype(jnp.int32)

    r_e = lax.broadcasted_iota(jnp.int32, (_E, _E), 0)
    c_e = lax.broadcasted_iota(jnp.int32, (_E, _E), 1)
    ustrict = (r_e < c_e).astype(jnp.float32)
    offs = lax.dot_general(new_carry, ustrict, (((1,), (0,)), ((), ())),
                           precision=lax.Precision.HIGHEST,
                           preferred_element_type=jnp.float32)
    offs_ref[...] = offs.astype(jnp.int32)


_tc_call = pl.pallas_call(
    _tc_body,
    grid=(_NBLK,),
    in_specs=[
        pl.BlockSpec((_BT, _DIM), lambda b: (b, 0)),
        pl.BlockSpec((_E, _DIM), lambda b: (0, 0)),
        pl.BlockSpec((1, _E), lambda b: (0, 0)),
    ],
    out_specs=[
        pl.BlockSpec((_BT, _K), lambda b: (b, 0)),
        pl.BlockSpec((_BT, _K), lambda b: (b, 0)),
        pl.BlockSpec((_BT, _K), lambda b: (b, 0)),
        pl.BlockSpec((1, _E), lambda b: (0, 0)),
        pl.BlockSpec((1, _E), lambda b: (0, 0)),
    ],
    out_shape=[
        jax.ShapeDtypeStruct((_N, _K), jnp.int32),
        jax.ShapeDtypeStruct((_N, _K), jnp.float32),
        jax.ShapeDtypeStruct((_N, _K), jnp.int32),
        jax.ShapeDtypeStruct((1, _E), jnp.int32),
        jax.ShapeDtypeStruct((1, _E), jnp.int32),
    ],
    scratch_shapes=[pltpu.VMEM((1, _E), jnp.float32)],
)


_SCCHUNK = _FLAT // _NS


def _sc_body(sel_hbm, pd_hbm, pay_hbm, off_hbm, spe_hbm, tis_hbm,
             image, shoffs, sel_v, pd_v, pay_v, offg_v, dest_v, sem):
    cid = lax.axis_index("c")
    sid = lax.axis_index("s")

    @pl.when(sid == 0)
    def _():
        pltpu.sync_copy(off_hbm, shoffs)

    pltpu.sync_copy(sel_hbm.at[sid], sel_v)
    pltpu.sync_copy(pd_hbm.at[sid], pd_v)
    pltpu.sync_copy(pay_hbm.at[cid, sid], pay_v)
    plsc.subcore_barrier()
    gat = pltpu.make_async_copy(shoffs.at[sel_v], offg_v, sem)
    gat.start()
    gat.wait()

    def body(j, carry):
        sl = pl.ds(j * 16, 16)
        dest_v[sl] = pd_v[sl] + offg_v[sl]
        return carry

    lax.fori_loop(0, _SCCHUNK // 16, body, 0)

    sc = pltpu.make_async_copy(pay_v, image.at[dest_v], sem)
    sc.start()
    sc.wait()
    plsc.subcore_barrier()
    sl = pl.ds(sid * _SCCHUNK, _SCCHUNK)

    @pl.when(cid == 0)
    def _():
        pltpu.sync_copy(image.at[sl], spe_hbm.at[sl])

    @pl.when(cid == 1)
    def _():
        pltpu.sync_copy(image.at[sl], tis_hbm.at[sl])


@functools.lru_cache(maxsize=1)
def _sc_dispatch():
    return pl.kernel(
        _sc_body,
        out_type=[
            jax.ShapeDtypeStruct((_FLAT,), jnp.int32),
            jax.ShapeDtypeStruct((_FLAT,), jnp.int32),
        ],
        mesh=plsc.VectorSubcoreMesh(core_axis_name="c", subcore_axis_name="s",
                                    num_cores=_NC, num_subcores=_NS),
        scratch_types=[
            pltpu.VMEM_SHARED((_FLAT,), jnp.int32),
            pltpu.VMEM_SHARED((_E,), jnp.int32),
            pltpu.VMEM((_SCCHUNK,), jnp.int32),
            pltpu.VMEM((_SCCHUNK,), jnp.int32),
            pltpu.VMEM((_SCCHUNK,), jnp.int32),
            pltpu.VMEM((_SCCHUNK,), jnp.int32),
            pltpu.VMEM((_SCCHUNK,), jnp.int32),
            pltpu.SemaphoreType.DMA,
        ],
    )


def kernel(x, gate, e_score_correction_bias):
    bias2 = e_score_correction_bias.reshape(1, _E)
    sel, w, pdest, counts, offs = _tc_call(x, gate, bias2)
    sel2 = sel.reshape(_NS, _SCCHUNK)
    pd2 = pdest.reshape(_NS, _SCCHUNK)
    wbits = lax.bitcast_convert_type(w, jnp.int32).reshape(_NS, _SCCHUNK)
    tok2 = (jnp.arange(_FLAT, dtype=jnp.int32) // _K).reshape(_NS, _SCCHUNK)
    pay = jnp.stack([wbits, tok2])
    spe_bits, tis = _sc_dispatch()(sel2, pd2, pay, offs.reshape(_E))
    spe = lax.bitcast_convert_type(spe_bits, jnp.float32)
    return spe, tis, counts.reshape(_E)

# --- scband reference (transcript-rebuilt; emitter-appended) ---
"""Pipeline reference for scband-deep-seek-v3-token-choice-top-krouter-44976897524354 (READ-ONLY COPY).

The authoritative reference and input builder live on the scoring server;
editing this copy changes nothing except your own understanding.
"""

import jax, jax.numpy as jnp
import numpy as np

DIM = 2048
NUM_EXPERTS = 64
EXPERTS_PER_TOKEN = 8
NUM_GROUPS = 8
TOPK_GROUPS = 4
NORM_TOPK_PROB = True
ROUTED_SCALING_FACTOR = 2.5
N_TOKENS = 8192


def setup_inputs(seed: int = 0) -> dict:
    key = jax.random.key(seed)
    k1, k2, k3 = jax.random.split(key, 3)
    x = jax.random.normal(k1, (N_TOKENS, DIM), dtype=jnp.float32)
    gate = jax.random.normal(k2, (NUM_EXPERTS, DIM), dtype=jnp.float32) * 0.02
    e_score_correction_bias = jax.random.uniform(k3, (NUM_EXPERTS,), dtype=jnp.float32)
    return {"x": x, "gate": gate, "e_score_correction_bias": e_score_correction_bias}


def reference(x, gate, e_score_correction_bias):
    n = x.shape[0]
    logits = x.astype(jnp.float32) @ gate.astype(jnp.float32).T
    scores = jax.nn.sigmoid(logits)
    scores_for_choice = scores + e_score_correction_bias[None, :]
    experts_per_group = NUM_EXPERTS // NUM_GROUPS
    gview = scores_for_choice.reshape(n, NUM_GROUPS, experts_per_group)
    top2_vals, _ = jax.lax.top_k(gview, 2)
    group_scores = top2_vals.sum(axis=-1)
    _, group_idxs = jax.lax.top_k(group_scores, TOPK_GROUPS)
    group_mask = jnp.zeros((n, NUM_GROUPS), dtype=bool).at[jnp.arange(n)[:, None], group_idxs].set(True)
    score_mask = jnp.repeat(group_mask, experts_per_group, axis=1)
    masked_scores = jnp.where(score_mask, scores_for_choice, -jnp.inf)
    _, selected_experts_idxs = jax.lax.top_k(masked_scores, EXPERTS_PER_TOKEN)
    scores_per_token = jnp.take_along_axis(scores, selected_experts_idxs, axis=1)
    if NUM_EXPERTS > 1 and NORM_TOPK_PROB:
        denominator = scores_per_token.sum(axis=-1, keepdims=True) + 1e-20
        scores_per_token = scores_per_token / denominator
    scores_per_token = scores_per_token * ROUTED_SCALING_FACTOR
    flat_sel = selected_experts_idxs.reshape(-1)
    num_tokens_per_expert = jnp.bincount(flat_sel, length=NUM_EXPERTS).astype(jnp.int32)
    token_idxs_experts_sorted = jnp.argsort(flat_sel, stable=True)
    scores_per_expert = scores_per_token.reshape(-1)[token_idxs_experts_sorted]
    token_idxs_experts_sorted = token_idxs_experts_sorted // EXPERTS_PER_TOKEN
    return (scores_per_expert, token_idxs_experts_sorted, num_tokens_per_expert)

if __name__ == "__main__":
    import jax
    _d = setup_inputs()
    print(jax.jit(kernel)(*tuple(_d.values())))

</pallas_src>

<mosaic_0001>
#map = affine_map<(d0, d1) -> (0, 0)>
#map1 = affine_map<(d0, d1) -> (0, 0, 0)>
#map2 = affine_map<(d0, d1) -> (0)>
module attributes {stable_mosaic.version = 14 : i64} {
  func.func @_sc_body(%arg0: i32, %arg1: i32, %arg2: memref<16x4096xi32, #tpu.memory_space<hbm>>, %arg3: memref<16x4096xi32, #tpu.memory_space<hbm>>, %arg4: memref<2x16x4096xi32, #tpu.memory_space<hbm>>, %arg5: memref<64xi32, #tpu.memory_space<hbm>>, %arg6: memref<65536xi32, #tpu.memory_space<hbm>>, %arg7: memref<65536xi32, #tpu.memory_space<hbm>>, %arg8: memref<65536xi32, #tpu.memory_space<vmem_shared>>, %arg9: memref<64xi32, #tpu.memory_space<vmem_shared>>, %arg10: memref<4096xi32, #tpu.memory_space<vmem>>, %arg11: memref<4096xi32, #tpu.memory_space<vmem>>, %arg12: memref<4096xi32, #tpu.memory_space<vmem>>, %arg13: memref<4096xi32, #tpu.memory_space<vmem>>, %arg14: memref<4096xi32, #tpu.memory_space<vmem>>, %arg15: memref<!tpu.dma_semaphore, #tpu.memory_space<semaphore_mem>>) attributes {dimension_semantics = [#tpu.dimension_semantics<core_parallel>, #tpu.dimension_semantics<subcore_parallel>], iteration_bounds = array<i64: 2, 16>, scalar_prefetch = 0 : i64, scratch_operands = 8 : i64, tpu.core_type = #tpu.core_type<sc_vector_subcore>, window_params = [{transform_indices = #map}, {transform_indices = #map}, {transform_indices = #map1}, {transform_indices = #map2}, {transform_indices = #map2}, {transform_indices = #map2}]} {
    %eq3A = arith.constant 0 : i32
    %eq3A_0 = arith.cmpi eq, %arg1, %eq3A : i32
    %convert_element_type3A = arith.extui %eq3A_0 : i1 to i32
    %cond3A = arith.constant 0 : i32
    %cond3A_1 = arith.cmpi ne, %convert_element_type3A, %cond3A : i32
    scf.if %cond3A_1 {
      "tpu.region"() ({
        %run_scoped3A = tpu.sem_alloc : memref<!tpu.dma_semaphore, #tpu.memory_space<semaphore_mem>>
        tpu.enqueue_dma source(%arg5 : memref<64xi32, #tpu.memory_space<hbm>>) target(%arg9 : memref<64xi32, #tpu.memory_space<vmem_shared>>) target_semaphore(%run_scoped3A : memref<!tpu.dma_semaphore, #tpu.memory_space<semaphore_mem>>)
        tpu.wait_dma2 semaphore(%run_scoped3A : memref<!tpu.dma_semaphore, #tpu.memory_space<semaphore_mem>>) src(%arg5 : memref<64xi32, #tpu.memory_space<hbm>>) dst(%arg9 : memref<64xi32, #tpu.memory_space<vmem_shared>>)
        tpu.yield
      }) : () -> ()
    } else {
    }
    "tpu.region"() ({
      %run_scoped3A = tpu.sem_alloc : memref<!tpu.dma_semaphore, #tpu.memory_space<semaphore_mem>>
      %dma_start3A_25 = arith.constant 0 : i32
      %dma_start3A_26 = tpu.memref_slice %arg2[%arg1, %dma_start3A_25] : memref<16x4096xi32, #tpu.memory_space<hbm>> -> memref<1x4096xi32, #tpu.memory_space<hbm>>
      %dma_start3A_27 = tpu.memref_squeeze %dma_start3A_26 : memref<1x4096xi32, #tpu.memory_space<hbm>> -> memref<4096xi32, #tpu.memory_space<hbm>>
      %dma_start3A_28 = arith.constant 0 : i32
      %dma_start3A_29 = tpu.memref_slice %arg2[%arg1, %dma_start3A_28] : memref<16x4096xi32, #tpu.memory_space<hbm>> -> memref<1x4096xi32, #tpu.memory_space<hbm>>
      %dma_start3A_30 = tpu.memref_squeeze %dma_start3A_29 : memref<1x4096xi32, #tpu.memory_space<hbm>> -> memref<4096xi32, #tpu.memory_space<hbm>>
      tpu.enqueue_dma source(%dma_start3A_30 : memref<4096xi32, #tpu.memory_space<hbm>>) target(%arg10 : memref<4096xi32, #tpu.memory_space<vmem>>) target_semaphore(%run_scoped3A : memref<!tpu.dma_semaphore, #tpu.memory_space<semaphore_mem>>)
      %dma_wait3A_31 = arith.constant 0 : i32
      %dma_wait3A_32 = tpu.memref_slice %arg2[%arg1, %dma_wait3A_31] : memref<16x4096xi32, #tpu.memory_space<hbm>> -> memref<1x4096xi32, #tpu.memory_space<hbm>>
      %dma_wait3A_33 = tpu.memref_squeeze %dma_wait3A_32 : memref<1x4096xi32, #tpu.memory_space<hbm>> -> memref<4096xi32, #tpu.memory_space<hbm>>
      %dma_wait3A_34 = arith.constant 0 : i32
      %dma_wait3A_35 = tpu.memref_slice %arg2[%arg1, %dma_wait3A_34] : memref<16x4096xi32, #tpu.memory_space<hbm>> -> memref<1x4096xi32, #tpu.memory_space<hbm>>
      %dma_wait3A_36 = tpu.memref_squeeze %dma_wait3A_35 : memref<1x4096xi32, #tpu.memory_space<hbm>> -> memref<4096xi32, #tpu.memory_space<hbm>>
      tpu.wait_dma2 semaphore(%run_scoped3A : memref<!tpu.dma_semaphore, #tpu.memory_space<semaphore_mem>>) src(%dma_wait3A_36 : memref<4096xi32, #tpu.memory_space<hbm>>) dst(%arg10 : memref<4096xi32, #tpu.memory_space<vmem>>)
      tpu.yield
    }) : () -> ()
    "tpu.region"() ({
      %run_scoped3A = tpu.sem_alloc : memref<!tpu.dma_semaphore, #tpu.memory_space<semaphore_mem>>
      %dma_start3A_25 = arith.constant 0 : i32
      %dma_start3A_26 = tpu.memref_slice %arg3[%arg1, %dma_start3A_25] : memref<16x4096xi32, #tpu.memory_space<hbm>> -> memref<1x4096xi32, #tpu.memory_space<hbm>>
      %dma_start3A_27 = tpu.memref_squeeze %dma_start3A_26 : memref<1x4096xi32, #tpu.memory_space<hbm>> -> memref<4096xi32, #tpu.memory_space<hbm>>
      %dma_start3A_28 = arith.constant 0 : i32
      %dma_start3A_29 = tpu.memref_slice %arg3[%arg1, %dma_start3A_28] : memref<16x4096xi32, #tpu.memory_space<hbm>> -> memref<1x4096xi32, #tpu.memory_space<hbm>>
      %dma_start3A_30 = tpu.memref_squeeze %dma_start3A_29 : memref<1x4096xi32, #tpu.memory_space<hbm>> -> memref<4096xi32, #tpu.memory_space<hbm>>
      tpu.enqueue_dma source(%dma_start3A_30 : memref<4096xi32, #tpu.memory_space<hbm>>) target(%arg11 : memref<4096xi32, #tpu.memory_space<vmem>>) target_semaphore(%run_scoped3A : memref<!tpu.dma_semaphore, #tpu.memory_space<semaphore_mem>>)
      %dma_wait3A_31 = arith.constant 0 : i32
      %dma_wait3A_32 = tpu.memref_slice %arg3[%arg1, %dma_wait3A_31] : memref<16x4096xi32, #tpu.memory_space<hbm>> -> memref<1x4096xi32, #tpu.memory_space<hbm>>
      %dma_wait3A_33 = tpu.memref_squeeze %dma_wait3A_32 : memref<1x4096xi32, #tpu.memory_space<hbm>> -> memref<4096xi32, #tpu.memory_space<hbm>>
      %dma_wait3A_34 = arith.constant 0 : i32
      %dma_wait3A_35 = tpu.memref_slice %arg3[%arg1, %dma_wait3A_34] : memref<16x4096xi32, #tpu.memory_space<hbm>> -> memref<1x4096xi32, #tpu.memory_space<hbm>>
      %dma_wait3A_36 = tpu.memref_squeeze %dma_wait3A_35 : memref<1x4096xi32, #tpu.memory_space<hbm>> -> memref<4096xi32, #tpu.memory_space<hbm>>
      tpu.wait_dma2 semaphore(%run_scoped3A : memref<!tpu.dma_semaphore, #tpu.memory_space<semaphore_mem>>) src(%dma_wait3A_36 : memref<4096xi32, #tpu.memory_space<hbm>>) dst(%arg11 : memref<4096xi32, #tpu.memory_space<vmem>>)
      tpu.yield
    }) : () -> ()
    "tpu.region"() ({
      %run_scoped3A = tpu.sem_alloc : memref<!tpu.dma_semaphore, #tpu.memory_space<semaphore_mem>>
      %dma_start3A_25 = arith.constant 0 : i32
      %dma_start3A_26 = tpu.memref_slice %arg4[%arg0, %arg1, %dma_start3A_25] : memref<2x16x4096xi32, #tpu.memory_space<hbm>> -> memref<1x1x4096xi32, #tpu.memory_space<hbm>>
      %dma_start3A_27 = tpu.memref_squeeze %dma_start3A_26 : memref<1x1x4096xi32, #tpu.memory_space<hbm>> -> memref<4096xi32, #tpu.memory_space<hbm>>
      %dma_start3A_28 = arith.constant 0 : i32
      %dma_start3A_29 = tpu.memref_slice %arg4[%arg0, %arg1, %dma_start3A_28] : memref<2x16x4096xi32, #tpu.memory_space<hbm>> -> memref<1x1x4096xi32, #tpu.memory_space<hbm>>
      %dma_start3A_30 = tpu.memref_squeeze %dma_start3A_29 : memref<1x1x4096xi32, #tpu.memory_space<hbm>> -> memref<4096xi32, #tpu.memory_space<hbm>>
      tpu.enqueue_dma source(%dma_start3A_30 : memref<4096xi32, #tpu.memory_space<hbm>>) target(%arg12 : memref<4096xi32, #tpu.memory_space<vmem>>) target_semaphore(%run_scoped3A : memref<!tpu.dma_semaphore, #tpu.memory_space<semaphore_mem>>)
      %dma_wait3A_31 = arith.constant 0 : i32
      %dma_wait3A_32 = tpu.memref_slice %arg4[%arg0, %arg1, %dma_wait3A_31] : memref<2x16x4096xi32, #tpu.memory_space<hbm>> -> memref<1x1x4096xi32, #tpu.memory_space<hbm>>
      %dma_wait3A_33 = tpu.memref_squeeze %dma_wait3A_32 : memref<1x1x4096xi32, #tpu.memory_space<hbm>> -> memref<4096xi32, #tpu.memory_space<hbm>>
      %dma_wait3A_34 = arith.constant 0 : i32
      %dma_wait3A_35 = tpu.memref_slice %arg4[%arg0, %arg1, %dma_wait3A_34] : memref<2x16x4096xi32, #tpu.memory_space<hbm>> -> memref<1x1x4096xi32, #tpu.memory_space<hbm>>
      %dma_wait3A_36 = tpu.memref_squeeze %dma_wait3A_35 : memref<1x1x4096xi32, #tpu.memory_space<hbm>> -> memref<4096xi32, #tpu.memory_space<hbm>>
      tpu.wait_dma2 semaphore(%run_scoped3A : memref<!tpu.dma_semaphore, #tpu.memory_space<semaphore_mem>>) src(%dma_wait3A_36 : memref<4096xi32, #tpu.memory_space<hbm>>) dst(%arg12 : memref<4096xi32, #tpu.memory_space<vmem>>)
      tpu.yield
    }) : () -> ()
    %barrier3A = arith.constant 0 : index
    tpu.barrier barrier_id(%barrier3A)
    %dma_start3A = arith.constant 0 : i32
    %dma_start3A_2 = tpu.memref_slice %arg9[%dma_start3A] : memref<64xi32, #tpu.memory_space<vmem_shared>> -> memref<64xi32, #tpu.memory_space<vmem_shared>>
    tpu.enqueue_indirect_dma source(%dma_start3A_2 : memref<64xi32, #tpu.memory_space<vmem_shared>>) target(%arg13 : memref<4096xi32, #tpu.memory_space<vmem>>) offsets(%arg10 : memref<4096xi32, #tpu.memory_space<vmem>>) semaphore(%arg15 : memref<!tpu.dma_semaphore, #tpu.memory_space<semaphore_mem>>)
    %dma_wait3A = arith.constant 0 : i32
    %dma_wait3A_3 = tpu.memref_slice %arg9[%dma_wait3A] : memref<64xi32, #tpu.memory_space<vmem_shared>> -> memref<64xi32, #tpu.memory_space<vmem_shared>>
    tpu.wait_indirect_dma semaphore(%arg15 : memref<!tpu.dma_semaphore, #tpu.memory_space<semaphore_mem>>) src(%dma_wait3A_3 : memref<64xi32, #tpu.memory_space<vmem_shared>>) dst(%arg13 : memref<4096xi32, #tpu.memory_space<vmem>>)
    %scan3A = arith.constant 0 : i32
    %scan3A_4 = arith.constant 0 : i32
    %scan3A_5 = arith.constant 256 : i32
    %scan3A_6 = arith.addi %scan3A_4, %scan3A_5 : i32
    %scan3A_7 = arith.constant 1 : i32
    scf.for %scan3A_25 = %scan3A_4 to %scan3A_6 step %scan3A_7  : i32 {
      %mul3A_26 = arith.constant 16 : i32
      %mul3A_27 = arith.muli %scan3A_25, %mul3A_26 : i32
      %get3A = arith.index_cast %mul3A_27 : i32 to index
      %get3A_28 = tpu.vector_load %arg11[%get3A] {strides = array<i32>} : memref<4096xi32, #tpu.memory_space<vmem>>, vector<16xi32>,
      %get3A_29 = vector.shape_cast %get3A_28 : vector<16xi32> to vector<16xi32>
      %get3A_30 = arith.index_cast %mul3A_27 : i32 to index
      %get3A_31 = tpu.vector_load %arg13[%get3A_30] {strides = array<i32>} : memref<4096xi32, #tpu.memory_space<vmem>>, vector<16xi32>,
      %get3A_32 = vector.shape_cast %get3A_31 : vector<16xi32> to vector<16xi32>
      %add3A = arith.addi %get3A_29, %get3A_32 : vector<16xi32>
      %swap3A = arith.index_cast %mul3A_27 : i32 to index
      %swap3A_33 = tpu.vector_load %arg14[%swap3A] {strides = array<i32>} : memref<4096xi32, #tpu.memory_space<vmem>>, vector<16xi32>,
      %swap3A_34 = vector.shape_cast %swap3A_33 : vector<16xi32> to vector<16xi32>
      %swap3A_35 = vector.shape_cast %add3A : vector<16xi32> to vector<16xi32>
      tpu.vector_store %arg14[%swap3A], %swap3A_35 {strides = array<i32>} : memref<4096xi32, #tpu.memory_space<vmem>>, vector<16xi32>,
    }
    %scan3A_8 = arith.constant 256 : i32
    %dma_start3A_9 = arith.constant 0 : i32
    %dma_start3A_10 = tpu.memref_slice %arg8[%dma_start3A_9] : memref<65536xi32, #tpu.memory_space<vmem_shared>> -> memref<65536xi32, #tpu.memory_space<vmem_shared>>
    tpu.enqueue_indirect_dma source(%arg12 : memref<4096xi32, #tpu.memory_space<vmem>>) target(%dma_start3A_10 : memref<65536xi32, #tpu.memory_space<vmem_shared>>) offsets(%arg14 : memref<4096xi32, #tpu.memory_space<vmem>>) semaphore(%arg15 : memref<!tpu.dma_semaphore, #tpu.memory_space<semaphore_mem>>)
    %dma_wait3A_11 = arith.constant 0 : i32
    %dma_wait3A_12 = tpu.memref_slice %arg8[%dma_wait3A_11] : memref<65536xi32, #tpu.memory_space<vmem_shared>> -> memref<65536xi32, #tpu.memory_space<vmem_shared>>
    tpu.wait_indirect_dma semaphore(%arg15 : memref<!tpu.dma_semaphore, #tpu.memory_space<semaphore_mem>>) src(%arg12 : memref<4096xi32, #tpu.memory_space<vmem>>) dst(%dma_wait3A_12 : memref<65536xi32, #tpu.memory_space<vmem_shared>>)
    %barrier3A_13 = arith.constant 0 : index
    tpu.barrier barrier_id(%barrier3A_13)
    %mul3A = arith.constant 4096 : i32
    %mul3A_14 = arith.muli %arg1, %mul3A : i32
    %eq3A_15 = arith.constant 0 : i32
    %eq3A_16 = arith.cmpi eq, %arg0, %eq3A_15 : i32
    %convert_element_type3A_17 = arith.extui %eq3A_16 : i1 to i32
    %cond3A_18 = arith.constant 0 : i32
    %cond3A_19 = arith.cmpi ne, %convert_element_type3A_17, %cond3A_18 : i32
    scf.if %cond3A_19 {
      "tpu.region"() ({
        %run_scoped3A = tpu.sem_alloc : memref<!tpu.dma_semaphore, #tpu.memory_space<semaphore_mem>>
        %dma_start3A_25 = tpu.memref_slice %arg6[%mul3A_14] : memref<65536xi32, #tpu.memory_space<hbm>> -> memref<4096xi32, #tpu.memory_space<hbm>>
        %dma_start3A_26 = tpu.memref_slice %arg8[%mul3A_14] : memref<65536xi32, #tpu.memory_space<vmem_shared>> -> memref<4096xi32, #tpu.memory_space<vmem_shared>>
        tpu.enqueue_dma source(%dma_start3A_26 : memref<4096xi32, #tpu.memory_space<vmem_shared>>) target(%dma_start3A_25 : memref<4096xi32, #tpu.memory_space<hbm>>) target_semaphore(%run_scoped3A : memref<!tpu.dma_semaphore, #tpu.memory_space<semaphore_mem>>)
        %dma_wait3A_27 = tpu.memref_slice %arg6[%mul3A_14] : memref<65536xi32, #tpu.memory_space<hbm>> -> memref<4096xi32, #tpu.memory_space<hbm>>
        %dma_wait3A_28 = tpu.memref_slice %arg8[%mul3A_14] : memref<65536xi32, #tpu.memory_space<vmem_shared>> -> memref<4096xi32, #tpu.memory_space<vmem_shared>>
        tpu.wait_dma2 semaphore(%run_scoped3A : memref<!tpu.dma_semaphore, #tpu.memory_space<semaphore_mem>>) src(%dma_wait3A_28 : memref<4096xi32, #tpu.memory_space<vmem_shared>>) dst(%dma_wait3A_27 : memref<4096xi32, #tpu.memory_space<hbm>>)
        tpu.yield
      }) : () -> ()
    } else {
    }
    %eq3A_20 = arith.constant 1 : i32
    %eq3A_21 = arith.cmpi eq, %arg0, %eq3A_20 : i32
    %convert_element_type3A_22 = arith.extui %eq3A_21 : i1 to i32
    %cond3A_23 = arith.constant 0 : i32
    %cond3A_24 = arith.cmpi ne, %convert_element_type3A_22, %cond3A_23 : i32
    scf.if %cond3A_24 {
      "tpu.region"() ({
        %run_scoped3A = tpu.sem_alloc : memref<!tpu.dma_semaphore, #tpu.memory_space<semaphore_mem>>
        %dma_start3A_25 = tpu.memref_slice %arg7[%mul3A_14] : memref<65536xi32, #tpu.memory_space<hbm>> -> memref<4096xi32, #tpu.memory_space<hbm>>
        %dma_start3A_26 = tpu.memref_slice %arg8[%mul3A_14] : memref<65536xi32, #tpu.memory_space<vmem_shared>> -> memref<4096xi32, #tpu.memory_space<vmem_shared>>
        tpu.enqueue_dma source(%dma_start3A_26 : memref<4096xi32, #tpu.memory_space<vmem_shared>>) target(%dma_start3A_25 : memref<4096xi32, #tpu.memory_space<hbm>>) target_semaphore(%run_scoped3A : memref<!tpu.dma_semaphore, #tpu.memory_space<semaphore_mem>>)
        %dma_wait3A_27 = tpu.memref_slice %arg7[%mul3A_14] : memref<65536xi32, #tpu.memory_space<hbm>> -> memref<4096xi32, #tpu.memory_space<hbm>>
        %dma_wait3A_28 = tpu.memref_slice %arg8[%mul3A_14] : memref<65536xi32, #tpu.memory_space<vmem_shared>> -> memref<4096xi32, #tpu.memory_space<vmem_shared>>
        tpu.wait_dma2 semaphore(%run_scoped3A : memref<!tpu.dma_semaphore, #tpu.memory_space<semaphore_mem>>) src(%dma_wait3A_28 : memref<4096xi32, #tpu.memory_space<vmem_shared>>) dst(%dma_wait3A_27 : memref<4096xi32, #tpu.memory_space<hbm>>)
        tpu.yield
      }) : () -> ()
    } else {
    }
    return
  }
}

module attributes {stable_mosaic.version = 14 : i64} {
  func.func @_tc_body(%arg0: i32, %arg1: memref<256x2048xf32, #tpu.memory_space<vmem>>, %arg2: memref<64x2048xf32, #tpu.memory_space<vmem>>, %arg3: memref<1x64xf32, #tpu.memory_space<vmem>>, %arg4: memref<256x8xi32, #tpu.memory_space<vmem>>, %arg5: memref<256x8xf32, #tpu.memory_space<vmem>>, %arg6: memref<256x8xi32, #tpu.memory_space<vmem>>, %arg7: memref<1x64xi32, #tpu.memory_space<vmem>>, %arg8: memref<1x64xi32, #tpu.memory_space<vmem>>, %arg9: memref<1x64xf32, #tpu.memory_space<vmem>>) attributes {dimension_semantics = [#tpu.dimension_semantics<arbitrary>], iteration_bounds = array<i64: 32>, scalar_prefetch = 0 : i64, scratch_operands = 1 : i64, tpu.core_type = #tpu.core_type<tc>, window_params = [{transform_indices = @transform_0, window_bounds = array<i64: 256, 2048>}, {pipeline_mode = #tpu.pipeline_mode<synchronous>, transform_indices = @transform_1, window_bounds = array<i64: 64, 2048>}, {pipeline_mode = #tpu.pipeline_mode<synchronous>, transform_indices = @transform_2, window_bounds = array<i64: 1, 64>}, {transform_indices = @transform_3, window_bounds = array<i64: 256, 8>}, {transform_indices = @transform_4, window_bounds = array<i64: 256, 8>}, {transform_indices = @transform_5, window_bounds = array<i64: 256, 8>}, {pipeline_mode = #tpu.pipeline_mode<synchronous>, transform_indices = @transform_6, window_bounds = array<i64: 1, 64>}, {pipeline_mode = #tpu.pipeline_mode<synchronous>, transform_indices = @transform_7, window_bounds = array<i64: 1, 64>}]} {
    %eq3A = arith.constant 0 : i32
    %eq3A_0 = arith.cmpi eq, %arg0, %eq3A : i32
    %convert_element_type3A = arith.extui %eq3A_0 : i1 to i32
    %cond3A = arith.constant 0 : i32
    %cond3A_1 = arith.cmpi ne, %convert_element_type3A, %cond3A : i32
    scf.if %cond3A_1 {
      %broadcast_in_dim3A_567 = arith.constant 0.000000e+00 : f32
      %broadcast_in_dim3A_568 = vector.broadcast %broadcast_in_dim3A_567 : f32 to vector<1x64xf32>
      %swap3A_569 = arith.constant 0 : index
      %swap3A_570 = arith.constant 0 : index
      %swap3A_571 = vector.load %arg9[%swap3A_569, %swap3A_570] : memref<1x64xf32, #tpu.memory_space<vmem>>, vector<1x64xf32>
      tpu.vector_store %arg9[%swap3A_569, %swap3A_570], %broadcast_in_dim3A_568 {strides = array<i32>} : memref<1x64xf32, #tpu.memory_space<vmem>>, vector<1x64xf32>,
    } else {
    }
    %get3A = arith.constant 0 : index
    %get3A_2 = arith.constant 0 : index
    %get3A_3 = vector.load %arg1[%get3A, %get3A_2] : memref<256x2048xf32, #tpu.memory_space<vmem>>, vector<256x2048xf32>
    %get3A_4 = arith.constant 0 : index
    %get3A_5 = arith.constant 0 : index
    %get3A_6 = vector.load %arg2[%get3A_4, %get3A_5] : memref<64x2048xf32, #tpu.memory_space<vmem>>, vector<64x2048xf32>
    %dot_general3A = arith.constant dense<0.000000e+00> : vector<256x64xf32>
    %dot_general3A_7 = tpu.matmul %get3A_3, %get3A_6, %dot_general3A {dimension_numbers = #tpu.dot_dimension_numbers<[1], [1], [0], [0], [0, 0, 1, 0], [], []>, transpose_lhs_hint = false} : vector<256x2048xf32>, vector<64x2048xf32>, vector<256x64xf32> -> vector<256x64xf32>
    %logistic3A = arith.negf %dot_general3A_7 : vector<256x64xf32>
    %logistic3A_8 = math.exp %logistic3A : vector<256x64xf32>
    %logistic3A_9 = arith.constant 1.000000e+00 : f32
    %logistic3A_10 = vector.broadcast %logistic3A_9 : f32 to vector<256x64xf32>
    %logistic3A_11 = arith.addf %logistic3A_10, %logistic3A_8 : vector<256x64xf32>
    %logistic3A_12 = arith.divf %logistic3A_10, %logistic3A_11 : vector<256x64xf32>
    %get3A_13 = arith.constant 0 : index
    %get3A_14 = arith.constant 0 : index
    %get3A_15 = vector.load %arg3[%get3A_13, %get3A_14] : memref<1x64xf32, #tpu.memory_space<vmem>>, vector<1x64xf32>
    %add3A = vector.broadcast %get3A_15 : vector<1x64xf32> to vector<256x64xf32>
    %add3A_16 = arith.addf %logistic3A_12, %add3A : vector<256x64xf32>
    %iota3A = tpu.iota {dimensions = array<i32: 1>} : vector<256x64xi32>
    %jit3A = arith.constant 8 : i32
    %div3A = vector.broadcast %jit3A : i32 to vector<256x64xi32>
    %div3A_17 = arith.divsi %iota3A, %div3A : vector<256x64xi32>
    %sign3A = arith.constant 0 : i32
    %sign3A_18 = vector.broadcast %sign3A : i32 to vector<256x64xi32>
    %sign3A_19 = arith.cmpi sgt, %iota3A, %sign3A_18 : vector<256x64xi32>
    %sign3A_20 = arith.extui %sign3A_19 : vector<256x64xi1> to vector<256x64xi32>
    %sign3A_21 = arith.constant 0 : i32
    %sign3A_22 = vector.broadcast %sign3A_21 : i32 to vector<256x64xi32>
    %sign3A_23 = arith.cmpi slt, %iota3A, %sign3A_22 : vector<256x64xi32>
    %sign3A_24 = arith.extui %sign3A_23 : vector<256x64xi1> to vector<256x64xi32>
    %sign3A_25 = arith.subi %sign3A_20, %sign3A_24 : vector<256x64xi32>
    %sign3A_26 = arith.constant 0 : i32
    %sign3A_27 = arith.cmpi sgt, %jit3A, %sign3A_26 : i32
    %sign3A_28 = arith.extui %sign3A_27 : i1 to i32
    %sign3A_29 = arith.constant 0 : i32
    %sign3A_30 = arith.cmpi slt, %jit3A, %sign3A_29 : i32
    %sign3A_31 = arith.extui %sign3A_30 : i1 to i32
    %sign3A_32 = arith.subi %sign3A_28, %sign3A_31 : i32
    %ne3A = vector.broadcast %sign3A_32 : i32 to vector<256x64xi32>
    %ne3A_33 = arith.cmpi ne, %sign3A_25, %ne3A : vector<256x64xi32>
    %rem3A = vector.broadcast %jit3A : i32 to vector<256x64xi32>
    %rem3A_34 = arith.remsi %iota3A, %rem3A : vector<256x64xi32>
    %ne3A_35 = arith.constant 0 : i32
    %ne3A_36 = vector.broadcast %ne3A_35 : i32 to vector<256x64xi32>
    %ne3A_37 = arith.cmpi ne, %rem3A_34, %ne3A_36 : vector<256x64xi32>
    %and3A = arith.andi %ne3A_33, %ne3A_37 : vector<256x64xi1>
    %sub3A = arith.constant 1 : i32
    %sub3A_38 = vector.broadcast %sub3A : i32 to vector<256x64xi32>
    %sub3A_39 = arith.subi %div3A_17, %sub3A_38 : vector<256x64xi32>
    %select_n3A = arith.select %and3A, %sub3A_39, %div3A_17 : vector<256x64xi1>, vector<256x64xi32>
    %broadcast_in_dim3A = arith.constant 0xFF800000 : f32
    %broadcast_in_dim3A_40 = vector.broadcast %broadcast_in_dim3A : f32 to vector<256x64xf32>
    %slice3A = vector.extract_strided_slice %add3A_16 {offsets = [0, 1], sizes = [256, 63], strides = [1, 1]} : vector<256x64xf32> to vector<256x63xf32>
    %slice3A_41 = vector.extract_strided_slice %add3A_16 {offsets = [0, 0], sizes = [256, 1], strides = [1, 1]} : vector<256x64xf32> to vector<256x1xf32>
    %concatenate3A = tpu.concatenate %slice3A, %slice3A_41 in 1 : vector<256x63xf32>, vector<256x1xf32> -> vector<256x64xf32>
    %slice3A_42 = vector.extract_strided_slice %broadcast_in_dim3A_40 {offsets = [0, 1], sizes = [256, 63], strides = [1, 1]} : vector<256x64xf32> to vector<256x63xf32>
    %slice3A_43 = vector.extract_strided_slice %broadcast_in_dim3A_40 {offsets = [0, 0], sizes = [256, 1], strides = [1, 1]} : vector<256x64xf32> to vector<256x1xf32>
    %concatenate3A_44 = tpu.concatenate %slice3A_42, %slice3A_43 in 1 : vector<256x63xf32>, vector<256x1xf32> -> vector<256x64xf32>
    %min3A = arith.minimumf %add3A_16, %concatenate3A : vector<256x64xf32>
    %max3A = arith.maximumf %add3A_16, %concatenate3A : vector<256x64xf32>
    %max3A_45 = arith.maximumf %broadcast_in_dim3A_40, %concatenate3A_44 : vector<256x64xf32>
    %max3A_46 = arith.maximumf %max3A_45, %min3A : vector<256x64xf32>
    %slice3A_47 = vector.extract_strided_slice %max3A {offsets = [0, 2], sizes = [256, 62], strides = [1, 1]} : vector<256x64xf32> to vector<256x62xf32>
    %slice3A_48 = vector.extract_strided_slice %max3A {offsets = [0, 0], sizes = [256, 2], strides = [1, 1]} : vector<256x64xf32> to vector<256x2xf32>
    %concatenate3A_49 = tpu.concatenate %slice3A_47, %slice3A_48 in 1 : vector<256x62xf32>, vector<256x2xf32> -> vector<256x64xf32>
    %slice3A_50 = vector.extract_strided_slice %max3A_46 {offsets = [0, 2], sizes = [256, 62], strides = [1, 1]} : vector<256x64xf32> to vector<256x62xf32>
    %slice3A_51 = vector.extract_strided_slice %max3A_46 {offsets = [0, 0], sizes = [256, 2], strides = [1, 1]} : vector<256x64xf32> to vector<256x2xf32>
    %concatenate3A_52 = tpu.concatenate %slice3A_50, %slice3A_51 in 1 : vector<256x62xf32>, vector<256x2xf32> -> vector<256x64xf32>
    %min3A_53 = arith.minimumf %max3A, %concatenate3A_49 : vector<256x64xf32>
    %max3A_54 = arith.maximumf %max3A, %concatenate3A_49 : vector<256x64xf32>
    %max3A_55 = arith.maximumf %max3A_46, %concatenate3A_52 : vector<256x64xf32>
    %max3A_56 = arith.maximumf %max3A_55, %min3A_53 : vector<256x64xf32>
    %slice3A_57 = vector.extract_strided_slice %max3A_54 {offsets = [0, 4], sizes = [256, 60], strides = [1, 1]} : vector<256x64xf32> to vector<256x60xf32>
    %slice3A_58 = vector.extract_strided_slice %max3A_54 {offsets = [0, 0], sizes = [256, 4], strides = [1, 1]} : vector<256x64xf32> to vector<256x4xf32>
    %concatenate3A_59 = tpu.concatenate %slice3A_57, %slice3A_58 in 1 : vector<256x60xf32>, vector<256x4xf32> -> vector<256x64xf32>
    %slice3A_60 = vector.extract_strided_slice %max3A_56 {offsets = [0, 4], sizes = [256, 60], strides = [1, 1]} : vector<256x64xf32> to vector<256x60xf32>
    %slice3A_61 = vector.extract_strided_slice %max3A_56 {offsets = [0, 0], sizes = [256, 4], strides = [1, 1]} : vector<256x64xf32> to vector<256x4xf32>
    %concatenate3A_62 = tpu.concatenate %slice3A_60, %slice3A_61 in 1 : vector<256x60xf32>, vector<256x4xf32> -> vector<256x64xf32>
    %min3A_63 = arith.minimumf %max3A_54, %concatenate3A_59 : vector<256x64xf32>
    %max3A_64 = arith.maximumf %max3A_54, %concatenate3A_59 : vector<256x64xf32>
    %max3A_65 = arith.maximumf %max3A_56, %concatenate3A_62 : vector<256x64xf32>
    %max3A_66 = arith.maximumf %max3A_65, %min3A_63 : vector<256x64xf32>
    %add3A_67 = arith.addf %max3A_64, %max3A_66 : vector<256x64xf32>
    %broadcast_in_dim3A_68 = arith.constant 0.000000e+00 : f32
    %broadcast_in_dim3A_69 = vector.broadcast %broadcast_in_dim3A_68 : f32 to vector<256x64xf32>
    %slice3A_70 = vector.extract_strided_slice %add3A_67 {offsets = [0, 8], sizes = [256, 56], strides = [1, 1]} : vector<256x64xf32> to vector<256x56xf32>
    %slice3A_71 = vector.extract_strided_slice %add3A_67 {offsets = [0, 0], sizes = [256, 8], strides = [1, 1]} : vector<256x64xf32> to vector<256x8xf32>
    %concatenate3A_72 = tpu.concatenate %slice3A_70, %slice3A_71 in 1 : vector<256x56xf32>, vector<256x8xf32> -> vector<256x64xf32>
    %ge3A = arith.constant 7 : i32
    %ge3A_73 = vector.broadcast %ge3A : i32 to vector<256x64xi32>
    %ge3A_74 = arith.cmpi sge, %select_n3A, %ge3A_73 : vector<256x64xi32>
    %gt3A = arith.cmpf ogt, %concatenate3A_72, %add3A_67 : vector<256x64xf32>
    %eq3A_75 = arith.cmpf oeq, %concatenate3A_72, %add3A_67 : vector<256x64xf32>
    %and3A_76 = arith.andi %eq3A_75, %ge3A_74 : vector<256x64xi1>
    %or3A = arith.ori %gt3A, %and3A_76 : vector<256x64xi1>
    %jit3A_77 = arith.constant 1.000000e+00 : f32
    %jit3A_78 = arith.constant 0.000000e+00 : f32
    %broadcast_in_dim3A_79 = vector.broadcast %jit3A_77 : f32 to vector<256x64xf32>
    %broadcast_in_dim3A_80 = vector.broadcast %jit3A_78 : f32 to vector<256x64xf32>
    %select_n3A_81 = arith.select %or3A, %broadcast_in_dim3A_79, %broadcast_in_dim3A_80 : vector<256x64xi1>, vector<256x64xf32>
    %add3A_82 = arith.addf %broadcast_in_dim3A_69, %select_n3A_81 : vector<256x64xf32>
    %slice3A_83 = vector.extract_strided_slice %add3A_67 {offsets = [0, 16], sizes = [256, 48], strides = [1, 1]} : vector<256x64xf32> to vector<256x48xf32>
    %slice3A_84 = vector.extract_strided_slice %add3A_67 {offsets = [0, 0], sizes = [256, 16], strides = [1, 1]} : vector<256x64xf32> to vector<256x16xf32>
    %concatenate3A_85 = tpu.concatenate %slice3A_83, %slice3A_84 in 1 : vector<256x48xf32>, vector<256x16xf32> -> vector<256x64xf32>
    %ge3A_86 = arith.constant 6 : i32
    %ge3A_87 = vector.broadcast %ge3A_86 : i32 to vector<256x64xi32>
    %ge3A_88 = arith.cmpi sge, %select_n3A, %ge3A_87 : vector<256x64xi32>
    %gt3A_89 = arith.cmpf ogt, %concatenate3A_85, %add3A_67 : vector<256x64xf32>
    %eq3A_90 = arith.cmpf oeq, %concatenate3A_85, %add3A_67 : vector<256x64xf32>
    %and3A_91 = arith.andi %eq3A_90, %ge3A_88 : vector<256x64xi1>
    %or3A_92 = arith.ori %gt3A_89, %and3A_91 : vector<256x64xi1>
    %jit3A_93 = arith.constant 1.000000e+00 : f32
    %jit3A_94 = arith.constant 0.000000e+00 : f32
    %broadcast_in_dim3A_95 = vector.broadcast %jit3A_93 : f32 to vector<256x64xf32>
    %broadcast_in_dim3A_96 = vector.broadcast %jit3A_94 : f32 to vector<256x64xf32>
    %select_n3A_97 = arith.select %or3A_92, %broadcast_in_dim3A_95, %broadcast_in_dim3A_96 : vector<256x64xi1>, vector<256x64xf32>
    %add3A_98 = arith.addf %add3A_82, %select_n3A_97 : vector<256x64xf32>
    %slice3A_99 = vector.extract_strided_slice %add3A_67 {offsets = [0, 24], sizes = [256, 40], strides = [1, 1]} : vector<256x64xf32> to vector<256x40xf32>
    %slice3A_100 = vector.extract_strided_slice %add3A_67 {offsets = [0, 0], sizes = [256, 24], strides = [1, 1]} : vector<256x64xf32> to vector<256x24xf32>
    %concatenate3A_101 = tpu.concatenate %slice3A_99, %slice3A_100 in 1 : vector<256x40xf32>, vector<256x24xf32> -> vector<256x64xf32>
    %ge3A_102 = arith.constant 5 : i32
    %ge3A_103 = vector.broadcast %ge3A_102 : i32 to vector<256x64xi32>
    %ge3A_104 = arith.cmpi sge, %select_n3A, %ge3A_103 : vector<256x64xi32>
    %gt3A_105 = arith.cmpf ogt, %concatenate3A_101, %add3A_67 : vector<256x64xf32>
    %eq3A_106 = arith.cmpf oeq, %concatenate3A_101, %add3A_67 : vector<256x64xf32>
    %and3A_107 = arith.andi %eq3A_106, %ge3A_104 : vector<256x64xi1>
    %or3A_108 = arith.ori %gt3A_105, %and3A_107 : vector<256x64xi1>
    %jit3A_109 = arith.constant 1.000000e+00 : f32
    %jit3A_110 = arith.constant 0.000000e+00 : f32
    %broadcast_in_dim3A_111 = vector.broadcast %jit3A_109 : f32 to vector<256x64xf32>
    %broadcast_in_dim3A_112 = vector.broadcast %jit3A_110 : f32 to vector<256x64xf32>
    %select_n3A_113 = arith.select %or3A_108, %broadcast_in_dim3A_111, %broadcast_in_dim3A_112 : vector<256x64xi1>, vector<256x64xf32>
    %add3A_114 = arith.addf %add3A_98, %select_n3A_113 : vector<256x64xf32>
    %slice3A_115 = vector.extract_strided_slice %add3A_67 {offsets = [0, 32], sizes = [256, 32], strides = [1, 1]} : vector<256x64xf32> to vector<256x32xf32>
    %slice3A_116 = vector.extract_strided_slice %add3A_67 {offsets = [0, 0], sizes = [256, 32], strides = [1, 1]} : vector<256x64xf32> to vector<256x32xf32>
    %concatenate3A_117 = tpu.concatenate %slice3A_115, %slice3A_116 in 1 : vector<256x32xf32>, vector<256x32xf32> -> vector<256x64xf32>
    %ge3A_118 = arith.constant 4 : i32
    %ge3A_119 = vector.broadcast %ge3A_118 : i32 to vector<256x64xi32>
    %ge3A_120 = arith.cmpi sge, %select_n3A, %ge3A_119 : vector<256x64xi32>
    %gt3A_121 = arith.cmpf ogt, %concatenate3A_117, %add3A_67 : vector<256x64xf32>
    %eq3A_122 = arith.cmpf oeq, %concatenate3A_117, %add3A_67 : vector<256x64xf32>
    %and3A_123 = arith.andi %eq3A_122, %ge3A_120 : vector<256x64xi1>
    %or3A_124 = arith.ori %gt3A_121, %and3A_123 : vector<256x64xi1>
    %jit3A_125 = arith.constant 1.000000e+00 : f32
    %jit3A_126 = arith.constant 0.000000e+00 : f32
    %broadcast_in_dim3A_127 = vector.broadcast %jit3A_125 : f32 to vector<256x64xf32>
    %broadcast_in_dim3A_128 = vector.broadcast %jit3A_126 : f32 to vector<256x64xf32>
    %select_n3A_129 = arith.select %or3A_124, %broadcast_in_dim3A_127, %broadcast_in_dim3A_128 : vector<256x64xi1>, vector<256x64xf32>
    %add3A_130 = arith.addf %add3A_114, %select_n3A_129 : vector<256x64xf32>
    %slice3A_131 = vector.extract_strided_slice %add3A_67 {offsets = [0, 40], sizes = [256, 24], strides = [1, 1]} : vector<256x64xf32> to vector<256x24xf32>
    %slice3A_132 = vector.extract_strided_slice %add3A_67 {offsets = [0, 0], sizes = [256, 40], strides = [1, 1]} : vector<256x64xf32> to vector<256x40xf32>
    %concatenate3A_133 = tpu.concatenate %slice3A_131, %slice3A_132 in 1 : vector<256x24xf32>, vector<256x40xf32> -> vector<256x64xf32>
    %ge3A_134 = arith.constant 3 : i32
    %ge3A_135 = vector.broadcast %ge3A_134 : i32 to vector<256x64xi32>
    %ge3A_136 = arith.cmpi sge, %select_n3A, %ge3A_135 : vector<256x64xi32>
    %gt3A_137 = arith.cmpf ogt, %concatenate3A_133, %add3A_67 : vector<256x64xf32>
    %eq3A_138 = arith.cmpf oeq, %concatenate3A_133, %add3A_67 : vector<256x64xf32>
    %and3A_139 = arith.andi %eq3A_138, %ge3A_136 : vector<256x64xi1>
    %or3A_140 = arith.ori %gt3A_137, %and3A_139 : vector<256x64xi1>
    %jit3A_141 = arith.constant 1.000000e+00 : f32
    %jit3A_142 = arith.constant 0.000000e+00 : f32
    %broadcast_in_dim3A_143 = vector.broadcast %jit3A_141 : f32 to vector<256x64xf32>
    %broadcast_in_dim3A_144 = vector.broadcast %jit3A_142 : f32 to vector<256x64xf32>
    %select_n3A_145 = arith.select %or3A_140, %broadcast_in_dim3A_143, %broadcast_in_dim3A_144 : vector<256x64xi1>, vector<256x64xf32>
    %add3A_146 = arith.addf %add3A_130, %select_n3A_145 : vector<256x64xf32>
    %slice3A_147 = vector.extract_strided_slice %add3A_67 {offsets = [0, 48], sizes = [256, 16], strides = [1, 1]} : vector<256x64xf32> to vector<256x16xf32>
    %slice3A_148 = vector.extract_strided_slice %add3A_67 {offsets = [0, 0], sizes = [256, 48], strides = [1, 1]} : vector<256x64xf32> to vector<256x48xf32>
    %concatenate3A_149 = tpu.concatenate %slice3A_147, %slice3A_148 in 1 : vector<256x16xf32>, vector<256x48xf32> -> vector<256x64xf32>
    %ge3A_150 = arith.constant 2 : i32
    %ge3A_151 = vector.broadcast %ge3A_150 : i32 to vector<256x64xi32>
    %ge3A_152 = arith.cmpi sge, %select_n3A, %ge3A_151 : vector<256x64xi32>
    %gt3A_153 = arith.cmpf ogt, %concatenate3A_149, %add3A_67 : vector<256x64xf32>
    %eq3A_154 = arith.cmpf oeq, %concatenate3A_149, %add3A_67 : vector<256x64xf32>
    %and3A_155 = arith.andi %eq3A_154, %ge3A_152 : vector<256x64xi1>
    %or3A_156 = arith.ori %gt3A_153, %and3A_155 : vector<256x64xi1>
    %jit3A_157 = arith.constant 1.000000e+00 : f32
    %jit3A_158 = arith.constant 0.000000e+00 : f32
    %broadcast_in_dim3A_159 = vector.broadcast %jit3A_157 : f32 to vector<256x64xf32>
    %broadcast_in_dim3A_160 = vector.broadcast %jit3A_158 : f32 to vector<256x64xf32>
    %select_n3A_161 = arith.select %or3A_156, %broadcast_in_dim3A_159, %broadcast_in_dim3A_160 : vector<256x64xi1>, vector<256x64xf32>
    %add3A_162 = arith.addf %add3A_146, %select_n3A_161 : vector<256x64xf32>
    %slice3A_163 = vector.extract_strided_slice %add3A_67 {offsets = [0, 56], sizes = [256, 8], strides = [1, 1]} : vector<256x64xf32> to vector<256x8xf32>
    %slice3A_164 = vector.extract_strided_slice %add3A_67 {offsets = [0, 0], sizes = [256, 56], strides = [1, 1]} : vector<256x64xf32> to vector<256x56xf32>
    %concatenate3A_165 = tpu.concatenate %slice3A_163, %slice3A_164 in 1 : vector<256x8xf32>, vector<256x56xf32> -> vector<256x64xf32>
    %ge3A_166 = arith.constant 1 : i32
    %ge3A_167 = vector.broadcast %ge3A_166 : i32 to vector<256x64xi32>
    %ge3A_168 = arith.cmpi sge, %select_n3A, %ge3A_167 : vector<256x64xi32>
    %gt3A_169 = arith.cmpf ogt, %concatenate3A_165, %add3A_67 : vector<256x64xf32>
    %eq3A_170 = arith.cmpf oeq, %concatenate3A_165, %add3A_67 : vector<256x64xf32>
    %and3A_171 = arith.andi %eq3A_170, %ge3A_168 : vector<256x64xi1>
    %or3A_172 = arith.ori %gt3A_169, %and3A_171 : vector<256x64xi1>
    %jit3A_173 = arith.constant 1.000000e+00 : f32
    %jit3A_174 = arith.constant 0.000000e+00 : f32
    %broadcast_in_dim3A_175 = vector.broadcast %jit3A_173 : f32 to vector<256x64xf32>
    %broadcast_in_dim3A_176 = vector.broadcast %jit3A_174 : f32 to vector<256x64xf32>
    %select_n3A_177 = arith.select %or3A_172, %broadcast_in_dim3A_175, %broadcast_in_dim3A_176 : vector<256x64xi1>, vector<256x64xf32>
    %add3A_178 = arith.addf %add3A_162, %select_n3A_177 : vector<256x64xf32>
    %jit3A_179 = arith.constant 8 : i32
    %eq3A_180 = arith.constant 0 : i32
    %eq3A_181 = arith.cmpi eq, %jit3A_179, %eq3A_180 : i32
    %jit3A_182 = arith.constant 1 : i32
    %select_n3A_183 = arith.select %eq3A_181, %jit3A_182, %jit3A_179 : i32
    %rem3A_184 = vector.broadcast %select_n3A_183 : i32 to vector<256x64xi32>
    %rem3A_185 = arith.remsi %iota3A, %rem3A_184 : vector<256x64xi32>
    %ne3A_186 = arith.constant 0 : i32
    %ne3A_187 = vector.broadcast %ne3A_186 : i32 to vector<256x64xi32>
    %ne3A_188 = arith.cmpi ne, %rem3A_185, %ne3A_187 : vector<256x64xi32>
    %lt3A = arith.constant 0 : i32
    %lt3A_189 = vector.broadcast %lt3A : i32 to vector<256x64xi32>
    %lt3A_190 = arith.cmpi slt, %rem3A_185, %lt3A_189 : vector<256x64xi32>
    %lt3A_191 = arith.constant 0 : i32
    %lt3A_192 = arith.cmpi slt, %select_n3A_183, %lt3A_191 : i32
    %ne3A_193 = vector.broadcast %lt3A_192 : i1 to vector<256x64xi1>
    %ne3A_194 = vector.broadcast %ne3A_193 : vector<256x64xi1> to vector<256x64xi1>
    %ne3A_195 = arith.xori %lt3A_190, %ne3A_194 : vector<256x64xi1>
    %and3A_196 = arith.andi %ne3A_195, %ne3A_188 : vector<256x64xi1>
    %add3A_197 = vector.broadcast %select_n3A_183 : i32 to vector<256x64xi32>
    %add3A_198 = arith.addi %rem3A_185, %add3A_197 : vector<256x64xi32>
    %select_n3A_199 = arith.select %and3A_196, %add3A_198, %rem3A_185 : vector<256x64xi1>, vector<256x64xi32>
    %eq3A_200 = arith.constant 0 : i32
    %eq3A_201 = vector.broadcast %eq3A_200 : i32 to vector<256x64xi32>
    %eq3A_202 = arith.cmpi eq, %select_n3A_199, %eq3A_201 : vector<256x64xi32>
    %lt3A_203 = arith.constant 4.000000e+00 : f32
    %lt3A_204 = vector.broadcast %lt3A_203 : f32 to vector<256x64xf32>
    %lt3A_205 = arith.cmpf olt, %add3A_178, %lt3A_204 : vector<256x64xf32>
    %and3A_206 = arith.andi %eq3A_202, %lt3A_205 : vector<256x64xi1>
    %jit3A_207 = arith.constant 1.000000e+00 : f32
    %jit3A_208 = arith.constant 0.000000e+00 : f32
    %broadcast_in_dim3A_209 = vector.broadcast %jit3A_207 : f32 to vector<256x64xf32>
    %broadcast_in_dim3A_210 = vector.broadcast %jit3A_208 : f32 to vector<256x64xf32>
    %select_n3A_211 = arith.select %and3A_206, %broadcast_in_dim3A_209, %broadcast_in_dim3A_210 : vector<256x64xi1>, vector<256x64xf32>
    %slice3A_212 = vector.extract_strided_slice %select_n3A_211 {offsets = [0, 63], sizes = [256, 1], strides = [1, 1]} : vector<256x64xf32> to vector<256x1xf32>
    %slice3A_213 = vector.extract_strided_slice %select_n3A_211 {offsets = [0, 0], sizes = [256, 63], strides = [1, 1]} : vector<256x64xf32> to vector<256x63xf32>
    %concatenate3A_214 = tpu.concatenate %slice3A_212, %slice3A_213 in 1 : vector<256x1xf32>, vector<256x63xf32> -> vector<256x64xf32>
    %add3A_215 = arith.addf %select_n3A_211, %concatenate3A_214 : vector<256x64xf32>
    %slice3A_216 = vector.extract_strided_slice %add3A_215 {offsets = [0, 62], sizes = [256, 2], strides = [1, 1]} : vector<256x64xf32> to vector<256x2xf32>
    %slice3A_217 = vector.extract_strided_slice %add3A_215 {offsets = [0, 0], sizes = [256, 62], strides = [1, 1]} : vector<256x64xf32> to vector<256x62xf32>
    %concatenate3A_218 = tpu.concatenate %slice3A_216, %slice3A_217 in 1 : vector<256x2xf32>, vector<256x62xf32> -> vector<256x64xf32>
    %add3A_219 = arith.addf %add3A_215, %concatenate3A_218 : vector<256x64xf32>
    %slice3A_220 = vector.extract_strided_slice %add3A_219 {offsets = [0, 60], sizes = [256, 4], strides = [1, 1]} : vector<256x64xf32> to vector<256x4xf32>
    %slice3A_221 = vector.extract_strided_slice %add3A_219 {offsets = [0, 0], sizes = [256, 60], strides = [1, 1]} : vector<256x64xf32> to vector<256x60xf32>
    %concatenate3A_222 = tpu.concatenate %slice3A_220, %slice3A_221 in 1 : vector<256x4xf32>, vector<256x60xf32> -> vector<256x64xf32>
    %add3A_223 = arith.addf %add3A_219, %concatenate3A_222 : vector<256x64xf32>
    %gt3A_224 = arith.constant 5.000000e-01 : f32
    %gt3A_225 = vector.broadcast %gt3A_224 : f32 to vector<256x64xf32>
    %gt3A_226 = arith.cmpf ogt, %add3A_223, %gt3A_225 : vector<256x64xf32>
    %jit3A_227 = arith.constant 0xFF800000 : f32
    %broadcast_in_dim3A_228 = vector.broadcast %jit3A_227 : f32 to vector<256x64xf32>
    %select_n3A_229 = arith.select %gt3A_226, %add3A_16, %broadcast_in_dim3A_228 : vector<256x64xi1>, vector<256x64xf32>
    %reduce_max3A = arith.constant dense<0xFF800000> : vector<256xf32>
    %reduce_max3A_230 = vector.multi_reduction <maximumf>, %select_n3A_229, %reduce_max3A [1] : vector<256x64xf32> to vector<256xf32>
    %broadcast_in_dim3A_231 = vector.shape_cast %reduce_max3A_230 : vector<256xf32> to vector<256x1xf32>
    %eq3A_232 = vector.broadcast %broadcast_in_dim3A_231 : vector<256x1xf32> to vector<256x64xf32>
    %eq3A_233 = arith.cmpf oeq, %select_n3A_229, %eq3A_232 : vector<256x64xf32>
    %jit3A_234 = arith.constant 64 : i32
    %broadcast_in_dim3A_235 = vector.broadcast %jit3A_234 : i32 to vector<256x64xi32>
    %select_n3A_236 = arith.select %eq3A_233, %iota3A, %broadcast_in_dim3A_235 : vector<256x64xi1>, vector<256x64xi32>
    %reduce_min3A = arith.constant dense<2147483647> : vector<256xi32>
    %reduce_min3A_237 = vector.multi_reduction <minsi>, %select_n3A_236, %reduce_min3A [1] : vector<256x64xi32> to vector<256xi32>
    %broadcast_in_dim3A_238 = vector.shape_cast %reduce_min3A_237 : vector<256xi32> to vector<256x1xi32>
    %eq3A_239 = vector.broadcast %broadcast_in_dim3A_238 : vector<256x1xi32> to vector<256x64xi32>
    %eq3A_240 = arith.cmpi eq, %iota3A, %eq3A_239 : vector<256x64xi32>
    %jit3A_241 = arith.constant 0.000000e+00 : f32
    %broadcast_in_dim3A_242 = vector.broadcast %jit3A_241 : f32 to vector<256x64xf32>
    %select_n3A_243 = arith.select %eq3A_240, %logistic3A_12, %broadcast_in_dim3A_242 : vector<256x64xi1>, vector<256x64xf32>
    %reduce_sum3A = arith.constant dense<0.000000e+00> : vector<256xf32>
    %reduce_sum3A_244 = vector.multi_reduction <add>, %select_n3A_243, %reduce_sum3A [1] : vector<256x64xf32> to vector<256xf32>
    %broadcast_in_dim3A_245 = vector.shape_cast %reduce_sum3A_244 : vector<256xf32> to vector<256x1xf32>
    %jit3A_246 = arith.constant 0xFF800000 : f32
    %broadcast_in_dim3A_247 = vector.broadcast %jit3A_246 : f32 to vector<256x64xf32>
    %select_n3A_248 = arith.select %eq3A_240, %broadcast_in_dim3A_247, %select_n3A_229 : vector<256x64xi1>, vector<256x64xf32>
    %reduce_max3A_249 = arith.constant dense<0xFF800000> : vector<256xf32>
    %reduce_max3A_250 = vector.multi_reduction <maximumf>, %select_n3A_248, %reduce_max3A_249 [1] : vector<256x64xf32> to vector<256xf32>
    %broadcast_in_dim3A_251 = vector.shape_cast %reduce_max3A_250 : vector<256xf32> to vector<256x1xf32>
    %eq3A_252 = vector.broadcast %broadcast_in_dim3A_251 : vector<256x1xf32> to vector<256x64xf32>
    %eq3A_253 = arith.cmpf oeq, %select_n3A_248, %eq3A_252 : vector<256x64xf32>
    %jit3A_254 = arith.constant 64 : i32
    %broadcast_in_dim3A_255 = vector.broadcast %jit3A_254 : i32 to vector<256x64xi32>
    %select_n3A_256 = arith.select %eq3A_253, %iota3A, %broadcast_in_dim3A_255 : vector<256x64xi1>, vector<256x64xi32>
    %reduce_min3A_257 = arith.constant dense<2147483647> : vector<256xi32>
    %reduce_min3A_258 = vector.multi_reduction <minsi>, %select_n3A_256, %reduce_min3A_257 [1] : vector<256x64xi32> to vector<256xi32>
    %broadcast_in_dim3A_259 = vector.shape_cast %reduce_min3A_258 : vector<256xi32> to vector<256x1xi32>
    %eq3A_260 = vector.broadcast %broadcast_in_dim3A_259 : vector<256x1xi32> to vector<256x64xi32>
    %eq3A_261 = arith.cmpi eq, %iota3A, %eq3A_260 : vector<256x64xi32>
    %jit3A_262 = arith.constant 0.000000e+00 : f32
    %broadcast_in_dim3A_263 = vector.broadcast %jit3A_262 : f32 to vector<256x64xf32>
    %select_n3A_264 = arith.select %eq3A_261, %logistic3A_12, %broadcast_in_dim3A_263 : vector<256x64xi1>, vector<256x64xf32>
    %reduce_sum3A_265 = arith.constant dense<0.000000e+00> : vector<256xf32>
    %reduce_sum3A_266 = vector.multi_reduction <add>, %select_n3A_264, %reduce_sum3A_265 [1] : vector<256x64xf32> to vector<256xf32>
    %broadcast_in_dim3A_267 = vector.shape_cast %reduce_sum3A_266 : vector<256xf32> to vector<256x1xf32>
    %jit3A_268 = arith.constant 0xFF800000 : f32
    %broadcast_in_dim3A_269 = vector.broadcast %jit3A_268 : f32 to vector<256x64xf32>
    %select_n3A_270 = arith.select %eq3A_261, %broadcast_in_dim3A_269, %select_n3A_248 : vector<256x64xi1>, vector<256x64xf32>
    %reduce_max3A_271 = arith.constant dense<0xFF800000> : vector<256xf32>
    %reduce_max3A_272 = vector.multi_reduction <maximumf>, %select_n3A_270, %reduce_max3A_271 [1] : vector<256x64xf32> to vector<256xf32>
    %broadcast_in_dim3A_273 = vector.shape_cast %reduce_max3A_272 : vector<256xf32> to vector<256x1xf32>
    %eq3A_274 = vector.broadcast %broadcast_in_dim3A_273 : vector<256x1xf32> to vector<256x64xf32>
    %eq3A_275 = arith.cmpf oeq, %select_n3A_270, %eq3A_274 : vector<256x64xf32>
    %jit3A_276 = arith.constant 64 : i32
    %broadcast_in_dim3A_277 = vector.broadcast %jit3A_276 : i32 to vector<256x64xi32>
    %select_n3A_278 = arith.select %eq3A_275, %iota3A, %broadcast_in_dim3A_277 : vector<256x64xi1>, vector<256x64xi32>
    %reduce_min3A_279 = arith.constant dense<2147483647> : vector<256xi32>
    %reduce_min3A_280 = vector.multi_reduction <minsi>, %select_n3A_278, %reduce_min3A_279 [1] : vector<256x64xi32> to vector<256xi32>
    %broadcast_in_dim3A_281 = vector.shape_cast %reduce_min3A_280 : vector<256xi32> to vector<256x1xi32>
    %eq3A_282 = vector.broadcast %broadcast_in_dim3A_281 : vector<256x1xi32> to vector<256x64xi32>
    %eq3A_283 = arith.cmpi eq, %iota3A, %eq3A_282 : vector<256x64xi32>
    %jit3A_284 = arith.constant 0.000000e+00 : f32
    %broadcast_in_dim3A_285 = vector.broadcast %jit3A_284 : f32 to vector<256x64xf32>
    %select_n3A_286 = arith.select %eq3A_283, %logistic3A_12, %broadcast_in_dim3A_285 : vector<256x64xi1>, vector<256x64xf32>
    %reduce_sum3A_287 = arith.constant dense<0.000000e+00> : vector<256xf32>
    %reduce_sum3A_288 = vector.multi_reduction <add>, %select_n3A_286, %reduce_sum3A_287 [1] : vector<256x64xf32> to vector<256xf32>
    %broadcast_in_dim3A_289 = vector.shape_cast %reduce_sum3A_288 : vector<256xf32> to vector<256x1xf32>
    %jit3A_290 = arith.constant 0xFF800000 : f32
    %broadcast_in_dim3A_291 = vector.broadcast %jit3A_290 : f32 to vector<256x64xf32>
    %select_n3A_292 = arith.select %eq3A_283, %broadcast_in_dim3A_291, %select_n3A_270 : vector<256x64xi1>, vector<256x64xf32>
    %reduce_max3A_293 = arith.constant dense<0xFF800000> : vector<256xf32>
    %reduce_max3A_294 = vector.multi_reduction <maximumf>, %select_n3A_292, %reduce_max3A_293 [1] : vector<256x64xf32> to vector<256xf32>
    %broadcast_in_dim3A_295 = vector.shape_cast %reduce_max3A_294 : vector<256xf32> to vector<256x1xf32>
    %eq3A_296 = vector.broadcast %broadcast_in_dim3A_295 : vector<256x1xf32> to vector<256x64xf32>
    %eq3A_297 = arith.cmpf oeq, %select_n3A_292, %eq3A_296 : vector<256x64xf32>
    %jit3A_298 = arith.constant 64 : i32
    %broadcast_in_dim3A_299 = vector.broadcast %jit3A_298 : i32 to vector<256x64xi32>
    %select_n3A_300 = arith.select %eq3A_297, %iota3A, %broadcast_in_dim3A_299 : vector<256x64xi1>, vector<256x64xi32>
    %reduce_min3A_301 = arith.constant dense<2147483647> : vector<256xi32>
    %reduce_min3A_302 = vector.multi_reduction <minsi>, %select_n3A_300, %reduce_min3A_301 [1] : vector<256x64xi32> to vector<256xi32>
    %broadcast_in_dim3A_303 = vector.shape_cast %reduce_min3A_302 : vector<256xi32> to vector<256x1xi32>
    %eq3A_304 = vector.broadcast %broadcast_in_dim3A_303 : vector<256x1xi32> to vector<256x64xi32>
    %eq3A_305 = arith.cmpi eq, %iota3A, %eq3A_304 : vector<256x64xi32>
    %jit3A_306 = arith.constant 0.000000e+00 : f32
    %broadcast_in_dim3A_307 = vector.broadcast %jit3A_306 : f32 to vector<256x64xf32>
    %select_n3A_308 = arith.select %eq3A_305, %logistic3A_12, %broadcast_in_dim3A_307 : vector<256x64xi1>, vector<256x64xf32>
    %reduce_sum3A_309 = arith.constant dense<0.000000e+00> : vector<256xf32>
    %reduce_sum3A_310 = vector.multi_reduction <add>, %select_n3A_308, %reduce_sum3A_309 [1] : vector<256x64xf32> to vector<256xf32>
    %broadcast_in_dim3A_311 = vector.shape_cast %reduce_sum3A_310 : vector<256xf32> to vector<256x1xf32>
    %jit3A_312 = arith.constant 0xFF800000 : f32
    %broadcast_in_dim3A_313 = vector.broadcast %jit3A_312 : f32 to vector<256x64xf32>
    %select_n3A_314 = arith.select %eq3A_305, %broadcast_in_dim3A_313, %select_n3A_292 : vector<256x64xi1>, vector<256x64xf32>
    %reduce_max3A_315 = arith.constant dense<0xFF800000> : vector<256xf32>
    %reduce_max3A_316 = vector.multi_reduction <maximumf>, %select_n3A_314, %reduce_max3A_315 [1] : vector<256x64xf32> to vector<256xf32>
    %broadcast_in_dim3A_317 = vector.shape_cast %reduce_max3A_316 : vector<256xf32> to vector<256x1xf32>
    %eq3A_318 = vector.broadcast %broadcast_in_dim3A_317 : vector<256x1xf32> to vector<256x64xf32>
    %eq3A_319 = arith.cmpf oeq, %select_n3A_314, %eq3A_318 : vector<256x64xf32>
    %jit3A_320 = arith.constant 64 : i32
    %broadcast_in_dim3A_321 = vector.broadcast %jit3A_320 : i32 to vector<256x64xi32>
    %select_n3A_322 = arith.select %eq3A_319, %iota3A, %broadcast_in_dim3A_321 : vector<256x64xi1>, vector<256x64xi32>
    %reduce_min3A_323 = arith.constant dense<2147483647> : vector<256xi32>
    %reduce_min3A_324 = vector.multi_reduction <minsi>, %select_n3A_322, %reduce_min3A_323 [1] : vector<256x64xi32> to vector<256xi32>
    %broadcast_in_dim3A_325 = vector.shape_cast %reduce_min3A_324 : vector<256xi32> to vector<256x1xi32>
    %eq3A_326 = vector.broadcast %broadcast_in_dim3A_325 : vector<256x1xi32> to vector<256x64xi32>
    %eq3A_327 = arith.cmpi eq, %iota3A, %eq3A_326 : vector<256x64xi32>
    %jit3A_328 = arith.constant 0.000000e+00 : f32
    %broadcast_in_dim3A_329 = vector.broadcast %jit3A_328 : f32 to vector<256x64xf32>
    %select_n3A_330 = arith.select %eq3A_327, %logistic3A_12, %broadcast_in_dim3A_329 : vector<256x64xi1>, vector<256x64xf32>
    %reduce_sum3A_331 = arith.constant dense<0.000000e+00> : vector<256xf32>
    %reduce_sum3A_332 = vector.multi_reduction <add>, %select_n3A_330, %reduce_sum3A_331 [1] : vector<256x64xf32> to vector<256xf32>
    %broadcast_in_dim3A_333 = vector.shape_cast %reduce_sum3A_332 : vector<256xf32> to vector<256x1xf32>
    %jit3A_334 = arith.constant 0xFF800000 : f32
    %broadcast_in_dim3A_335 = vector.broadcast %jit3A_334 : f32 to vector<256x64xf32>
    %select_n3A_336 = arith.select %eq3A_327, %broadcast_in_dim3A_335, %select_n3A_314 : vector<256x64xi1>, vector<256x64xf32>
    %reduce_max3A_337 = arith.constant dense<0xFF800000> : vector<256xf32>
    %reduce_max3A_338 = vector.multi_reduction <maximumf>, %select_n3A_336, %reduce_max3A_337 [1] : vector<256x64xf32> to vector<256xf32>
    %broadcast_in_dim3A_339 = vector.shape_cast %reduce_max3A_338 : vector<256xf32> to vector<256x1xf32>
    %eq3A_340 = vector.broadcast %broadcast_in_dim3A_339 : vector<256x1xf32> to vector<256x64xf32>
    %eq3A_341 = arith.cmpf oeq, %select_n3A_336, %eq3A_340 : vector<256x64xf32>
    %jit3A_342 = arith.constant 64 : i32
    %broadcast_in_dim3A_343 = vector.broadcast %jit3A_342 : i32 to vector<256x64xi32>
    %select_n3A_344 = arith.select %eq3A_341, %iota3A, %broadcast_in_dim3A_343 : vector<256x64xi1>, vector<256x64xi32>
    %reduce_min3A_345 = arith.constant dense<2147483647> : vector<256xi32>
    %reduce_min3A_346 = vector.multi_reduction <minsi>, %select_n3A_344, %reduce_min3A_345 [1] : vector<256x64xi32> to vector<256xi32>
    %broadcast_in_dim3A_347 = vector.shape_cast %reduce_min3A_346 : vector<256xi32> to vector<256x1xi32>
    %eq3A_348 = vector.broadcast %broadcast_in_dim3A_347 : vector<256x1xi32> to vector<256x64xi32>
    %eq3A_349 = arith.cmpi eq, %iota3A, %eq3A_348 : vector<256x64xi32>
    %jit3A_350 = arith.constant 0.000000e+00 : f32
    %broadcast_in_dim3A_351 = vector.broadcast %jit3A_350 : f32 to vector<256x64xf32>
    %select_n3A_352 = arith.select %eq3A_349, %logistic3A_12, %broadcast_in_dim3A_351 : vector<256x64xi1>, vector<256x64xf32>
    %reduce_sum3A_353 = arith.constant dense<0.000000e+00> : vector<256xf32>
    %reduce_sum3A_354 = vector.multi_reduction <add>, %select_n3A_352, %reduce_sum3A_353 [1] : vector<256x64xf32> to vector<256xf32>
    %broadcast_in_dim3A_355 = vector.shape_cast %reduce_sum3A_354 : vector<256xf32> to vector<256x1xf32>
    %jit3A_356 = arith.constant 0xFF800000 : f32
    %broadcast_in_dim3A_357 = vector.broadcast %jit3A_356 : f32 to vector<256x64xf32>
    %select_n3A_358 = arith.select %eq3A_349, %broadcast_in_dim3A_357, %select_n3A_336 : vector<256x64xi1>, vector<256x64xf32>
    %reduce_max3A_359 = arith.constant dense<0xFF800000> : vector<256xf32>
    %reduce_max3A_360 = vector.multi_reduction <maximumf>, %select_n3A_358, %reduce_max3A_359 [1] : vector<256x64xf32> to vector<256xf32>
    %broadcast_in_dim3A_361 = vector.shape_cast %reduce_max3A_360 : vector<256xf32> to vector<256x1xf32>
    %eq3A_362 = vector.broadcast %broadcast_in_dim3A_361 : vector<256x1xf32> to vector<256x64xf32>
    %eq3A_363 = arith.cmpf oeq, %select_n3A_358, %eq3A_362 : vector<256x64xf32>
    %jit3A_364 = arith.constant 64 : i32
    %broadcast_in_dim3A_365 = vector.broadcast %jit3A_364 : i32 to vector<256x64xi32>
    %select_n3A_366 = arith.select %eq3A_363, %iota3A, %broadcast_in_dim3A_365 : vector<256x64xi1>, vector<256x64xi32>
    %reduce_min3A_367 = arith.constant dense<2147483647> : vector<256xi32>
    %reduce_min3A_368 = vector.multi_reduction <minsi>, %select_n3A_366, %reduce_min3A_367 [1] : vector<256x64xi32> to vector<256xi32>
    %broadcast_in_dim3A_369 = vector.shape_cast %reduce_min3A_368 : vector<256xi32> to vector<256x1xi32>
    %eq3A_370 = vector.broadcast %broadcast_in_dim3A_369 : vector<256x1xi32> to vector<256x64xi32>
    %eq3A_371 = arith.cmpi eq, %iota3A, %eq3A_370 : vector<256x64xi32>
    %jit3A_372 = arith.constant 0.000000e+00 : f32
    %broadcast_in_dim3A_373 = vector.broadcast %jit3A_372 : f32 to vector<256x64xf32>
    %select_n3A_374 = arith.select %eq3A_371, %logistic3A_12, %broadcast_in_dim3A_373 : vector<256x64xi1>, vector<256x64xf32>
    %reduce_sum3A_375 = arith.constant dense<0.000000e+00> : vector<256xf32>
    %reduce_sum3A_376 = vector.multi_reduction <add>, %select_n3A_374, %reduce_sum3A_375 [1] : vector<256x64xf32> to vector<256xf32>
    %broadcast_in_dim3A_377 = vector.shape_cast %reduce_sum3A_376 : vector<256xf32> to vector<256x1xf32>
    %jit3A_378 = arith.constant 0xFF800000 : f32
    %broadcast_in_dim3A_379 = vector.broadcast %jit3A_378 : f32 to vector<256x64xf32>
    %select_n3A_380 = arith.select %eq3A_371, %broadcast_in_dim3A_379, %select_n3A_358 : vector<256x64xi1>, vector<256x64xf32>
    %reduce_max3A_381 = arith.constant dense<0xFF800000> : vector<256xf32>
    %reduce_max3A_382 = vector.multi_reduction <maximumf>, %select_n3A_380, %reduce_max3A_381 [1] : vector<256x64xf32> to vector<256xf32>
    %broadcast_in_dim3A_383 = vector.shape_cast %reduce_max3A_382 : vector<256xf32> to vector<256x1xf32>
    %eq3A_384 = vector.broadcast %broadcast_in_dim3A_383 : vector<256x1xf32> to vector<256x64xf32>
    %eq3A_385 = arith.cmpf oeq, %select_n3A_380, %eq3A_384 : vector<256x64xf32>
    %jit3A_386 = arith.constant 64 : i32
    %broadcast_in_dim3A_387 = vector.broadcast %jit3A_386 : i32 to vector<256x64xi32>
    %select_n3A_388 = arith.select %eq3A_385, %iota3A, %broadcast_in_dim3A_387 : vector<256x64xi1>, vector<256x64xi32>
    %reduce_min3A_389 = arith.constant dense<2147483647> : vector<256xi32>
    %reduce_min3A_390 = vector.multi_reduction <minsi>, %select_n3A_388, %reduce_min3A_389 [1] : vector<256x64xi32> to vector<256xi32>
    %broadcast_in_dim3A_391 = vector.shape_cast %reduce_min3A_390 : vector<256xi32> to vector<256x1xi32>
    %eq3A_392 = vector.broadcast %broadcast_in_dim3A_391 : vector<256x1xi32> to vector<256x64xi32>
    %eq3A_393 = arith.cmpi eq, %iota3A, %eq3A_392 : vector<256x64xi32>
    %jit3A_394 = arith.constant 0.000000e+00 : f32
    %broadcast_in_dim3A_395 = vector.broadcast %jit3A_394 : f32 to vector<256x64xf32>
    %select_n3A_396 = arith.select %eq3A_393, %logistic3A_12, %broadcast_in_dim3A_395 : vector<256x64xi1>, vector<256x64xf32>
    %reduce_sum3A_397 = arith.constant dense<0.000000e+00> : vector<256xf32>
    %reduce_sum3A_398 = vector.multi_reduction <add>, %select_n3A_396, %reduce_sum3A_397 [1] : vector<256x64xf32> to vector<256xf32>
    %broadcast_in_dim3A_399 = vector.shape_cast %reduce_sum3A_398 : vector<256xf32> to vector<256x1xf32>
    %concatenate3A_400 = tpu.concatenate %broadcast_in_dim3A_238, %broadcast_in_dim3A_259, %broadcast_in_dim3A_281, %broadcast_in_dim3A_303, %broadcast_in_dim3A_325, %broadcast_in_dim3A_347, %broadcast_in_dim3A_369, %broadcast_in_dim3A_391 in 1 : vector<256x1xi32>, vector<256x1xi32>, vector<256x1xi32>, vector<256x1xi32>, vector<256x1xi32>, vector<256x1xi32>, vector<256x1xi32>, vector<256x1xi32> -> vector<256x8xi32>
    %concatenate3A_401 = tpu.concatenate %broadcast_in_dim3A_245, %broadcast_in_dim3A_267, %broadcast_in_dim3A_289, %broadcast_in_dim3A_311, %broadcast_in_dim3A_333, %broadcast_in_dim3A_355, %broadcast_in_dim3A_377, %broadcast_in_dim3A_399 in 1 : vector<256x1xf32>, vector<256x1xf32>, vector<256x1xf32>, vector<256x1xf32>, vector<256x1xf32>, vector<256x1xf32>, vector<256x1xf32>, vector<256x1xf32> -> vector<256x8xf32>
    %reduce_sum3A_402 = arith.constant dense<0.000000e+00> : vector<256xf32>
    %reduce_sum3A_403 = vector.multi_reduction <add>, %concatenate3A_401, %reduce_sum3A_402 [1] : vector<256x8xf32> to vector<256xf32>
    %broadcast_in_dim3A_404 = vector.shape_cast %reduce_sum3A_403 : vector<256xf32> to vector<256x1xf32>
    %add3A_405 = arith.constant 9.99999968E-21 : f32
    %add3A_406 = vector.broadcast %add3A_405 : f32 to vector<256x1xf32>
    %add3A_407 = arith.addf %broadcast_in_dim3A_404, %add3A_406 : vector<256x1xf32>
    %div3A_408 = vector.broadcast %add3A_407 : vector<256x1xf32> to vector<256x8xf32>
    %div3A_409 = arith.divf %concatenate3A_401, %div3A_408 : vector<256x8xf32>
    %mul3A = arith.constant 2.500000e+00 : f32
    %mul3A_410 = vector.broadcast %mul3A : f32 to vector<256x8xf32>
    %mul3A_411 = arith.mulf %div3A_409, %mul3A_410 : vector<256x8xf32>
    %swap3A = arith.constant 0 : index
    %swap3A_412 = arith.constant 0 : index
    %swap3A_413 = vector.load %arg5[%swap3A, %swap3A_412] : memref<256x8xf32, #tpu.memory_space<vmem>>, vector<256x8xf32>
    tpu.vector_store %arg5[%swap3A, %swap3A_412], %mul3A_411 {strides = array<i32>} : memref<256x8xf32, #tpu.memory_space<vmem>>, vector<256x8xf32>,
    %broadcast_in_dim3A_414 = arith.constant 0.000000e+00 : f32
    %broadcast_in_dim3A_415 = vector.broadcast %broadcast_in_dim3A_414 : f32 to vector<256x64xf32>
    %convert_element_type3A_416 = arith.extui %eq3A_240 : vector<256x64xi1> to vector<256x64xi32>
    %convert_element_type3A_417 = arith.sitofp %convert_element_type3A_416 : vector<256x64xi32> to vector<256x64xf32>
    %mul3A_418 = arith.mulf %broadcast_in_dim3A_415, %convert_element_type3A_417 : vector<256x64xf32>
    %reduce_sum3A_419 = arith.constant dense<0.000000e+00> : vector<256xf32>
    %reduce_sum3A_420 = vector.multi_reduction <add>, %mul3A_418, %reduce_sum3A_419 [1] : vector<256x64xf32> to vector<256xf32>
    %broadcast_in_dim3A_421 = vector.shape_cast %reduce_sum3A_420 : vector<256xf32> to vector<256x1xf32>
    %add3A_422 = arith.addf %broadcast_in_dim3A_415, %convert_element_type3A_417 : vector<256x64xf32>
    %convert_element_type3A_423 = arith.extui %eq3A_261 : vector<256x64xi1> to vector<256x64xi32>
    %convert_element_type3A_424 = arith.sitofp %convert_element_type3A_423 : vector<256x64xi32> to vector<256x64xf32>
    %mul3A_425 = arith.mulf %add3A_422, %convert_element_type3A_424 : vector<256x64xf32>
    %reduce_sum3A_426 = arith.constant dense<0.000000e+00> : vector<256xf32>
    %reduce_sum3A_427 = vector.multi_reduction <add>, %mul3A_425, %reduce_sum3A_426 [1] : vector<256x64xf32> to vector<256xf32>
    %broadcast_in_dim3A_428 = vector.shape_cast %reduce_sum3A_427 : vector<256xf32> to vector<256x1xf32>
    %add3A_429 = arith.addf %add3A_422, %convert_element_type3A_424 : vector<256x64xf32>
    %convert_element_type3A_430 = arith.extui %eq3A_283 : vector<256x64xi1> to vector<256x64xi32>
    %convert_element_type3A_431 = arith.sitofp %convert_element_type3A_430 : vector<256x64xi32> to vector<256x64xf32>
    %mul3A_432 = arith.mulf %add3A_429, %convert_element_type3A_431 : vector<256x64xf32>
    %reduce_sum3A_433 = arith.constant dense<0.000000e+00> : vector<256xf32>
    %reduce_sum3A_434 = vector.multi_reduction <add>, %mul3A_432, %reduce_sum3A_433 [1] : vector<256x64xf32> to vector<256xf32>
    %broadcast_in_dim3A_435 = vector.shape_cast %reduce_sum3A_434 : vector<256xf32> to vector<256x1xf32>
    %add3A_436 = arith.addf %add3A_429, %convert_element_type3A_431 : vector<256x64xf32>
    %convert_element_type3A_437 = arith.extui %eq3A_305 : vector<256x64xi1> to vector<256x64xi32>
    %convert_element_type3A_438 = arith.sitofp %convert_element_type3A_437 : vector<256x64xi32> to vector<256x64xf32>
    %mul3A_439 = arith.mulf %add3A_436, %convert_element_type3A_438 : vector<256x64xf32>
    %reduce_sum3A_440 = arith.constant dense<0.000000e+00> : vector<256xf32>
    %reduce_sum3A_441 = vector.multi_reduction <add>, %mul3A_439, %reduce_sum3A_440 [1] : vector<256x64xf32> to vector<256xf32>
    %broadcast_in_dim3A_442 = vector.shape_cast %reduce_sum3A_441 : vector<256xf32> to vector<256x1xf32>
    %add3A_443 = arith.addf %add3A_436, %convert_element_type3A_438 : vector<256x64xf32>
    %convert_element_type3A_444 = arith.extui %eq3A_327 : vector<256x64xi1> to vector<256x64xi32>
    %convert_element_type3A_445 = arith.sitofp %convert_element_type3A_444 : vector<256x64xi32> to vector<256x64xf32>
    %mul3A_446 = arith.mulf %add3A_443, %convert_element_type3A_445 : vector<256x64xf32>
    %reduce_sum3A_447 = arith.constant dense<0.000000e+00> : vector<256xf32>
    %reduce_sum3A_448 = vector.multi_reduction <add>, %mul3A_446, %reduce_sum3A_447 [1] : vector<256x64xf32> to vector<256xf32>
    %broadcast_in_dim3A_449 = vector.shape_cast %reduce_sum3A_448 : vector<256xf32> to vector<256x1xf32>
    %add3A_450 = arith.addf %add3A_443, %convert_element_type3A_445 : vector<256x64xf32>
    %convert_element_type3A_451 = arith.extui %eq3A_349 : vector<256x64xi1> to vector<256x64xi32>
    %convert_element_type3A_452 = arith.sitofp %convert_element_type3A_451 : vector<256x64xi32> to vector<256x64xf32>
    %mul3A_453 = arith.mulf %add3A_450, %convert_element_type3A_452 : vector<256x64xf32>
    %reduce_sum3A_454 = arith.constant dense<0.000000e+00> : vector<256xf32>
    %reduce_sum3A_455 = vector.multi_reduction <add>, %mul3A_453, %reduce_sum3A_454 [1] : vector<256x64xf32> to vector<256xf32>
    %broadcast_in_dim3A_456 = vector.shape_cast %reduce_sum3A_455 : vector<256xf32> to vector<256x1xf32>
    %add3A_457 = arith.addf %add3A_450, %convert_element_type3A_452 : vector<256x64xf32>
    %convert_element_type3A_458 = arith.extui %eq3A_371 : vector<256x64xi1> to vector<256x64xi32>
    %convert_element_type3A_459 = arith.sitofp %convert_element_type3A_458 : vector<256x64xi32> to vector<256x64xf32>
    %mul3A_460 = arith.mulf %add3A_457, %convert_element_type3A_459 : vector<256x64xf32>
    %reduce_sum3A_461 = arith.constant dense<0.000000e+00> : vector<256xf32>
    %reduce_sum3A_462 = vector.multi_reduction <add>, %mul3A_460, %reduce_sum3A_461 [1] : vector<256x64xf32> to vector<256xf32>
    %broadcast_in_dim3A_463 = vector.shape_cast %reduce_sum3A_462 : vector<256xf32> to vector<256x1xf32>
    %add3A_464 = arith.addf %add3A_457, %convert_element_type3A_459 : vector<256x64xf32>
    %convert_element_type3A_465 = arith.extui %eq3A_393 : vector<256x64xi1> to vector<256x64xi32>
    %convert_element_type3A_466 = arith.sitofp %convert_element_type3A_465 : vector<256x64xi32> to vector<256x64xf32>
    %mul3A_467 = arith.mulf %add3A_464, %convert_element_type3A_466 : vector<256x64xf32>
    %reduce_sum3A_468 = arith.constant dense<0.000000e+00> : vector<256xf32>
    %reduce_sum3A_469 = vector.multi_reduction <add>, %mul3A_467, %reduce_sum3A_468 [1] : vector<256x64xf32> to vector<256xf32>
    %broadcast_in_dim3A_470 = vector.shape_cast %reduce_sum3A_469 : vector<256xf32> to vector<256x1xf32>
    %add3A_471 = arith.addf %add3A_464, %convert_element_type3A_466 : vector<256x64xf32>
    %concatenate3A_472 = tpu.concatenate %broadcast_in_dim3A_421, %broadcast_in_dim3A_428, %broadcast_in_dim3A_435, %broadcast_in_dim3A_442, %broadcast_in_dim3A_449, %broadcast_in_dim3A_456, %broadcast_in_dim3A_463, %broadcast_in_dim3A_470 in 1 : vector<256x1xf32>, vector<256x1xf32>, vector<256x1xf32>, vector<256x1xf32>, vector<256x1xf32>, vector<256x1xf32>, vector<256x1xf32>, vector<256x1xf32> -> vector<256x8xf32>
    %iota3A_473 = tpu.iota {dimensions = array<i32: 0>} : vector<256x256xi32>
    %iota3A_474 = tpu.iota {dimensions = array<i32: 1>} : vector<256x256xi32>
    %gt3A_475 = arith.cmpi sgt, %iota3A_473, %iota3A_474 : vector<256x256xi32>
    %convert_element_type3A_476 = arith.extui %gt3A_475 : vector<256x256xi1> to vector<256x256xi32>
    %convert_element_type3A_477 = arith.sitofp %convert_element_type3A_476 : vector<256x256xi32> to vector<256x256xf32>
    %dot_general3A_478 = arith.constant dense<0.000000e+00> : vector<256x64xf32>
    %dot_general3A_479 = tpu.matmul %convert_element_type3A_477, %add3A_471, %dot_general3A_478 {dimension_numbers = #tpu.dot_dimension_numbers<[1], [0], [0], [1], [0, 0, 1, 1], [], []>, precision = #tpu.contract_precision<fp32>, transpose_lhs_hint = false} : vector<256x256xf32>, vector<256x64xf32>, vector<256x64xf32> -> vector<256x64xf32>
    %get3A_480 = arith.constant 0 : index
    %get3A_481 = arith.constant 0 : index
    %get3A_482 = vector.load %arg9[%get3A_480, %get3A_481] : memref<1x64xf32, #tpu.memory_space<vmem>>, vector<1x64xf32>
    %add3A_483 = vector.broadcast %get3A_482 : vector<1x64xf32> to vector<256x64xf32>
    %add3A_484 = arith.addf %dot_general3A_479, %add3A_483 : vector<256x64xf32>
    %convert_element_type3A_485 = arith.extui %eq3A_240 : vector<256x64xi1> to vector<256x64xi32>
    %convert_element_type3A_486 = arith.sitofp %convert_element_type3A_485 : vector<256x64xi32> to vector<256x64xf32>
    %mul3A_487 = arith.mulf %add3A_484, %convert_element_type3A_486 : vector<256x64xf32>
    %reduce_sum3A_488 = arith.constant dense<0.000000e+00> : vector<256xf32>
    %reduce_sum3A_489 = vector.multi_reduction <add>, %mul3A_487, %reduce_sum3A_488 [1] : vector<256x64xf32> to vector<256xf32>
    %broadcast_in_dim3A_490 = vector.shape_cast %reduce_sum3A_489 : vector<256xf32> to vector<256x1xf32>
    %convert_element_type3A_491 = arith.extui %eq3A_261 : vector<256x64xi1> to vector<256x64xi32>
    %convert_element_type3A_492 = arith.sitofp %convert_element_type3A_491 : vector<256x64xi32> to vector<256x64xf32>
    %mul3A_493 = arith.mulf %add3A_484, %convert_element_type3A_492 : vector<256x64xf32>
    %reduce_sum3A_494 = arith.constant dense<0.000000e+00> : vector<256xf32>
    %reduce_sum3A_495 = vector.multi_reduction <add>, %mul3A_493, %reduce_sum3A_494 [1] : vector<256x64xf32> to vector<256xf32>
    %broadcast_in_dim3A_496 = vector.shape_cast %reduce_sum3A_495 : vector<256xf32> to vector<256x1xf32>
    %convert_element_type3A_497 = arith.extui %eq3A_283 : vector<256x64xi1> to vector<256x64xi32>
    %convert_element_type3A_498 = arith.sitofp %convert_element_type3A_497 : vector<256x64xi32> to vector<256x64xf32>
    %mul3A_499 = arith.mulf %add3A_484, %convert_element_type3A_498 : vector<256x64xf32>
    %reduce_sum3A_500 = arith.constant dense<0.000000e+00> : vector<256xf32>
    %reduce_sum3A_501 = vector.multi_reduction <add>, %mul3A_499, %reduce_sum3A_500 [1] : vector<256x64xf32> to vector<256xf32>
    %broadcast_in_dim3A_502 = vector.shape_cast %reduce_sum3A_501 : vector<256xf32> to vector<256x1xf32>
    %convert_element_type3A_503 = arith.extui %eq3A_305 : vector<256x64xi1> to vector<256x64xi32>
    %convert_element_type3A_504 = arith.sitofp %convert_element_type3A_503 : vector<256x64xi32> to vector<256x64xf32>
    %mul3A_505 = arith.mulf %add3A_484, %convert_element_type3A_504 : vector<256x64xf32>
    %reduce_sum3A_506 = arith.constant dense<0.000000e+00> : vector<256xf32>
    %reduce_sum3A_507 = vector.multi_reduction <add>, %mul3A_505, %reduce_sum3A_506 [1] : vector<256x64xf32> to vector<256xf32>
    %broadcast_in_dim3A_508 = vector.shape_cast %reduce_sum3A_507 : vector<256xf32> to vector<256x1xf32>
    %convert_element_type3A_509 = arith.extui %eq3A_327 : vector<256x64xi1> to vector<256x64xi32>
    %convert_element_type3A_510 = arith.sitofp %convert_element_type3A_509 : vector<256x64xi32> to vector<256x64xf32>
    %mul3A_511 = arith.mulf %add3A_484, %convert_element_type3A_510 : vector<256x64xf32>
    %reduce_sum3A_512 = arith.constant dense<0.000000e+00> : vector<256xf32>
    %reduce_sum3A_513 = vector.multi_reduction <add>, %mul3A_511, %reduce_sum3A_512 [1] : vector<256x64xf32> to vector<256xf32>
    %broadcast_in_dim3A_514 = vector.shape_cast %reduce_sum3A_513 : vector<256xf32> to vector<256x1xf32>
    %convert_element_type3A_515 = arith.extui %eq3A_349 : vector<256x64xi1> to vector<256x64xi32>
    %convert_element_type3A_516 = arith.sitofp %convert_element_type3A_515 : vector<256x64xi32> to vector<256x64xf32>
    %mul3A_517 = arith.mulf %add3A_484, %convert_element_type3A_516 : vector<256x64xf32>
    %reduce_sum3A_518 = arith.constant dense<0.000000e+00> : vector<256xf32>
    %reduce_sum3A_519 = vector.multi_reduction <add>, %mul3A_517, %reduce_sum3A_518 [1] : vector<256x64xf32> to vector<256xf32>
    %broadcast_in_dim3A_520 = vector.shape_cast %reduce_sum3A_519 : vector<256xf32> to vector<256x1xf32>
    %convert_element_type3A_521 = arith.extui %eq3A_371 : vector<256x64xi1> to vector<256x64xi32>
    %convert_element_type3A_522 = arith.sitofp %convert_element_type3A_521 : vector<256x64xi32> to vector<256x64xf32>
    %mul3A_523 = arith.mulf %add3A_484, %convert_element_type3A_522 : vector<256x64xf32>
    %reduce_sum3A_524 = arith.constant dense<0.000000e+00> : vector<256xf32>
    %reduce_sum3A_525 = vector.multi_reduction <add>, %mul3A_523, %reduce_sum3A_524 [1] : vector<256x64xf32> to vector<256xf32>
    %broadcast_in_dim3A_526 = vector.shape_cast %reduce_sum3A_525 : vector<256xf32> to vector<256x1xf32>
    %convert_element_type3A_527 = arith.extui %eq3A_393 : vector<256x64xi1> to vector<256x64xi32>
    %convert_element_type3A_528 = arith.sitofp %convert_element_type3A_527 : vector<256x64xi32> to vector<256x64xf32>
    %mul3A_529 = arith.mulf %add3A_484, %convert_element_type3A_528 : vector<256x64xf32>
    %reduce_sum3A_530 = arith.constant dense<0.000000e+00> : vector<256xf32>
    %reduce_sum3A_531 = vector.multi_reduction <add>, %mul3A_529, %reduce_sum3A_530 [1] : vector<256x64xf32> to vector<256xf32>
    %broadcast_in_dim3A_532 = vector.shape_cast %reduce_sum3A_531 : vector<256xf32> to vector<256x1xf32>
    %concatenate3A_533 = tpu.concatenate %broadcast_in_dim3A_490, %broadcast_in_dim3A_496, %broadcast_in_dim3A_502, %broadcast_in_dim3A_508, %broadcast_in_dim3A_514, %broadcast_in_dim3A_520, %broadcast_in_dim3A_526, %broadcast_in_dim3A_532 in 1 : vector<256x1xf32>, vector<256x1xf32>, vector<256x1xf32>, vector<256x1xf32>, vector<256x1xf32>, vector<256x1xf32>, vector<256x1xf32>, vector<256x1xf32> -> vector<256x8xf32>
    %add3A_534 = arith.addf %concatenate3A_533, %concatenate3A_472 : vector<256x8xf32>
    %swap3A_535 = arith.constant 0 : index
    %swap3A_536 = arith.constant 0 : index
    %swap3A_537 = vector.load %arg4[%swap3A_535, %swap3A_536] : memref<256x8xi32, #tpu.memory_space<vmem>>, vector<256x8xi32>
    tpu.vector_store %arg4[%swap3A_535, %swap3A_536], %concatenate3A_400 {strides = array<i32>} : memref<256x8xi32, #tpu.memory_space<vmem>>, vector<256x8xi32>,
    %convert_element_type3A_538 = arith.fptosi %add3A_534 : vector<256x8xf32> to vector<256x8xi32>
    %swap3A_539 = arith.constant 0 : index
    %swap3A_540 = arith.constant 0 : index
    %swap3A_541 = vector.load %arg6[%swap3A_539, %swap3A_540] : memref<256x8xi32, #tpu.memory_space<vmem>>, vector<256x8xi32>
    tpu.vector_store %arg6[%swap3A_539, %swap3A_540], %convert_element_type3A_538 {strides = array<i32>} : memref<256x8xi32, #tpu.memory_space<vmem>>, vector<256x8xi32>,
    %get3A_542 = arith.constant 0 : index
    %get3A_543 = arith.constant 0 : index
    %get3A_544 = vector.load %arg9[%get3A_542, %get3A_543] : memref<1x64xf32, #tpu.memory_space<vmem>>, vector<1x64xf32>
    %reduce_sum3A_545 = arith.constant dense<0.000000e+00> : vector<64xf32>
    %reduce_sum3A_546 = vector.multi_reduction <add>, %add3A_471, %reduce_sum3A_545 [0] : vector<256x64xf32> to vector<64xf32>
    %broadcast_in_dim3A_547 = vector.shape_cast %reduce_sum3A_546 : vector<64xf32> to vector<1x64xf32>
    %add3A_548 = arith.addf %get3A_544, %broadcast_in_dim3A_547 : vector<1x64xf32>
    %swap3A_549 = arith.constant 0 : index
    %swap3A_550 = arith.constant 0 : index
    %swap3A_551 = vector.load %arg9[%swap3A_549, %swap3A_550] : memref<1x64xf32, #tpu.memory_space<vmem>>, vector<1x64xf32>
    tpu.vector_store %arg9[%swap3A_549, %swap3A_550], %add3A_548 {strides = array<i32>} : memref<1x64xf32, #tpu.memory_space<vmem>>, vector<1x64xf32>,
    %convert_element_type3A_552 = arith.fptosi %add3A_548 : vector<1x64xf32> to vector<1x64xi32>
    %swap3A_553 = arith.constant 0 : index
    %swap3A_554 = arith.constant 0 : index
    %swap3A_555 = vector.load %arg7[%swap3A_553, %swap3A_554] : memref<1x64xi32, #tpu.memory_space<vmem>>, vector<1x64xi32>
    tpu.vector_store %arg7[%swap3A_553, %swap3A_554], %convert_element_type3A_552 {strides = array<i32>} : memref<1x64xi32, #tpu.memory_space<vmem>>, vector<1x64xi32>,
    %iota3A_556 = tpu.iota {dimensions = array<i32: 0>} : vector<64x64xi32>
    %iota3A_557 = tpu.iota {dimensions = array<i32: 1>} : vector<64x64xi32>
    %lt3A_558 = arith.cmpi slt, %iota3A_556, %iota3A_557 : vector<64x64xi32>
    %convert_element_type3A_559 = arith.extui %lt3A_558 : vector<64x64xi1> to vector<64x64xi32>
    %convert_element_type3A_560 = arith.sitofp %convert_element_type3A_559 : vector<64x64xi32> to vector<64x64xf32>
    %dot_general3A_561 = arith.constant dense<0.000000e+00> : vector<1x64xf32>
    %dot_general3A_562 = tpu.matmul %add3A_548, %convert_element_type3A_560, %dot_general3A_561 {dimension_numbers = #tpu.dot_dimension_numbers<[1], [0], [0], [1], [0, 0, 1, 1], [], []>, precision = #tpu.contract_precision<fp32>, transpose_lhs_hint = false} : vector<1x64xf32>, vector<64x64xf32>, vector<1x64xf32> -> vector<1x64xf32>
    %convert_element_type3A_563 = arith.fptosi %dot_general3A_562 : vector<1x64xf32> to vector<1x64xi32>
    %swap3A_564 = arith.constant 0 : index
    %swap3A_565 = arith.constant 0 : index
    %swap3A_566 = vector.load %arg8[%swap3A_564, %swap3A_565] : memref<1x64xi32, #tpu.memory_space<vmem>>, vector<1x64xi32>
    tpu.vector_store %arg8[%swap3A_564, %swap3A_565], %convert_element_type3A_563 {strides = array<i32>} : memref<1x64xi32, #tpu.memory_space<vmem>>, vector<1x64xi32>,
    return
  }
  func.func @transform_0(%arg0: i32) -> (i32, i32) {
    %c0_i32 = arith.constant 0 : i32
    %c0_i32_0 = arith.constant 0 : i32
    return %arg0, %c0_i32 : i32, i32
  }
  func.func @transform_1(%arg0: i32) -> (i32, i32) {
    %c0_i32 = arith.constant 0 : i32
    %c0_i32_0 = arith.constant 0 : i32
    %c0_i32_1 = arith.constant 0 : i32
    return %c0_i32, %c0_i32_0 : i32, i32
  }
  func.func @transform_2(%arg0: i32) -> (i32, i32) {
    %c0_i32 = arith.constant 0 : i32
    %c0_i32_0 = arith.constant 0 : i32
    %c0_i32_1 = arith.constant 0 : i32
    return %c0_i32, %c0_i32_0 : i32, i32
  }
  func.func @transform_3(%arg0: i32) -> (i32, i32) {
    %c0_i32 = arith.constant 0 : i32
    %c0_i32_0 = arith.constant 0 : i32
    return %arg0, %c0_i32 : i32, i32
  }
  func.func @transform_4(%arg0: i32) -> (i32, i32) {
    %c0_i32 = arith.constant 0 : i32
    %c0_i32_0 = arith.constant 0 : i32
    return %arg0, %c0_i32 : i32, i32
  }
  func.func @transform_5(%arg0: i32) -> (i32, i32) {
    %c0_i32 = arith.constant 0 : i32
    %c0_i32_0 = arith.constant 0 : i32
    return %arg0, %c0_i32 : i32, i32
  }
  func.func @transform_6(%arg0: i32) -> (i32, i32) {
    %c0_i32 = arith.constant 0 : i32
    %c0_i32_0 = arith.constant 0 : i32
    %c0_i32_1 = arith.constant 0 : i32
    return %c0_i32, %c0_i32_0 : i32, i32
  }
  func.func @transform_7(%arg0: i32) -> (i32, i32) {
    %c0_i32 = arith.constant 0 : i32
    %c0_i32_0 = arith.constant 0 : i32
    %c0_i32_1 = arith.constant 0 : i32
    return %c0_i32, %c0_i32_0 : i32, i32
  }
}

</mosaic_0001>

<sc_bundles>
// kernel: kernel.4.cloned.1.call-start
scs
__scs_entry_jumppad:
0x0: {  	(pc) =	sbr.rel $0x88, $3  }
0x1: {  	(tag) =	ssettag $0x0;
	lr =	simm.s32 $0x1  }
0x2: {  	[smem:$0x3F9E] =	sst lr;
	_ =	strace $0xD0000000  }
0x3: {  	_ = 	snop  }
0x4: {  	_ = 	snop  }
0x5: {  	_ = 	snop  }
0x6: {  	_ = 	snop  }
0x7: {  	_ = 	snop  }
__scs_overlays_trampoline_lowered:
0x8: {  	[smem:$0x3FAD] =	sst s0  }
0x9: {  	[smem:$0x3FAE] =	sst s1  }
0xa: {  	[smem:$0x3FAF] =	sst s2  }
0xb: {  	[smem:$0x3FB0] =	sst s3  }
0xc: {  	[smem:$0x3FB1] =	sst s4  }
0xd: {  	[smem:$0x3FB2] =	sst s5  }
0xe: {  	[smem:$0x3FB3] =	sst s6  }
0xf: {  	[smem:$0x3FB4] =	sst s7  }
0x10: {  	[smem:$0x3FB5] =	sst s8  }
0x11: {  	[smem:$0x3FB6] =	sst s9;
	s0 =	simm.s32 @!p0 $0x0  }
0x12: {  	s1 =	sld [smem:$0x3F9C];
	s0 =	simm.s32 @p0 $0x1  }
0x13: {  	[smem:$0x3FB7] =	sst s0;
	s0 =	simm.s32 @!p1 $0x0  }
0x14: {  	s2 =	sld [smem:$0x3F9B];
	s0 =	simm.s32 @p1 $0x1  }
0x15: {  	[smem:$0x3FB8] =	sst s0;
	s0 =	simm.s32 @!p2 $0x0  }
0x16: {  	s3 =	sld [smem:$0x3FDB];
	s0 =	simm.s32 @p2 $0x1  }
0x17: {  	s4 =	simm.s32 $0x1BF5;
	[smem:$0x3FBA] =	sst s0  }
0x18: {  	s0 =	sld [smem:$0x3F9D];
	_ =	swait.ge [sflag:s4], $0x0  }
0x19: {  	s7 =	sld [smem:$0x3F9E]  }
0x1a: {  	s8 =	sadd.s32 $0xFFFFE003, lr  }
0x1b: {  	s9 =	sadd.s32 $0xFFFFFEF7, lr;
	s5 =	simm.s32 $0xFFFFFFFF;
	p2 =	slt.u32 s8, $0xFFFFF086  }
0x1c: {  	p1 =	slt.u32 s9, $0xF7A;
	s5 =	simm.s32 @!p2 $0x0  }
0x1d: {  	s5 =	simm.s32 @p1 $0x1;
	p0 =	seq.s32 s7, s2  }
0x1e: {  	s7 =	smul.u32 @!p0 $0xF7A, s2;
	p2 =	seq.s32 @!p0 s5, $0x0  }
0x1f: {  	s9 =	smul.u32 $0xF7A, s1;
	s8 =	simm.s32 @!p0 $0x1BF5;
	p2 =	por !p2, p0  }
0x20: {  	[sflag:s8] =	ssyncset.s32 @!p0 $0xFFFFF086;
	s6 =	sadd.s32 @!p0 s3, s7;
	s7 =	simm.s32 @!p0 $0x108  }
0x21: {  	s3 =	sadd.s32 s3, s9;
	s6 =	sadd.s32 @!p0 $0x88, s6;
	s7 =	simm.s32 @p2 $0x1082  }
0x22: {  	[simem:s7], [sflag:s8] =	dma.local @!p0 [hbm:s6], $0xF7A  }
0x23: {  	s9 =	sor.u32 $0xD0000000, s2;
	s6 =	simm.s32 $0x108;
	_ =	swait.ge @!p0 [sflag:s8], $0x0  }
0x24: {  	s3 =	sadd.s32 $0x88, s3;
	s6 =	simm.s32 @!p1 $0x1082;
	[sflag:s4] =	ssyncset.s32 $0xFFFFF086  }
0x25: {  	[simem:s6], [sflag:s4] =	dma.local [hbm:s3], $0xF7A  }
0x26: {  	[smem:$0x3F9E] =	sst s1;
	(tag) =	ssettag s2;
	_ =	strace s9  }
0x27: {  	s1 =	sld [smem:$0x3FAE]  }
0x28: {  	s2 =	sld [smem:$0x3FAF]  }
0x29: {  	s4 =	sld [smem:$0x3FB1]  }
0x2a: {  	p0 =	seq.s32 s5, $0x0;
	s5 =	sld [smem:$0x3FB2]  }
0x2b: {  	s6 =	sld [smem:$0x3FB3]  }
0x2c: {  	s7 =	sld [smem:$0x3FB4]  }
0x2d: {  	s3 =	simm.s32 $0x108;
	s8 =	sld [smem:$0x3FB5]  }
0x2e: {  	s3 =	simm.s32 @!p0 $0x1082;
	s9 =	sld [smem:$0x3FB6]  }
0x2f: {  	lr =	sadd.s32 s0, s3;
	s0 =	sld [smem:$0x3FAD]  }
0x30: {  	s3 =	sld [smem:$0x3FB0]  }
0x31: {  	[smem:$0x3FB9] =	sst s10  }
0x32: {  	s10 =	sld [smem:$0x3FB7];
	_ =	sdelay $0x3  }
0x33: {  	p0 =	seq.s32 s10, $0x1;
	s10 =	sld [smem:$0x3FB9];
	_ =	sdelay $0x3  }
0x34: {  	[smem:$0x3FB9] =	sst s10  }
0x35: {  	s10 =	sld [smem:$0x3FB8];
	_ =	sdelay $0x3  }
0x36: {  	p1 =	seq.s32 s10, $0x1;
	s10 =	sld [smem:$0x3FB9];
	_ =	sdelay $0x3  }
0x37: {  	[smem:$0x3FB9] =	sst s10  }
0x38: {  	s10 =	sld [smem:$0x3FBA]  }
0x39: {  	_ = 	snop;
	(pc) =	sbr.ind lr, $3  }
0x3a: {  	_ = 	snop  }
0x3b: {  	_ = 	snop  }
0x3c: {  	p2 =	seq.s32 s10, $0x1;
	s10 =	sld [smem:$0x3FB9]  }
0x3d: {  	_ =	shalt  }
0x3e: {  	_ =	shalt  }
0x3f: {  	_ =	shalt  }
0x40: {  	_ =	shalt  }
0x41: {  	_ =	shalt  }
0x42: {  	_ =	shalt  }
0x43: {  	_ =	shalt  }
0x44: {  	_ =	shalt  }
0x45: {  	_ =	shalt  }
0x46: {  	_ =	shalt  }
0x47: {  	_ =	shalt  }
0x48: {  	_ =	shalt  }
0x49: {  	_ =	shalt  }
0x4a: {  	_ =	shalt  }
0x4b: {  	_ =	shalt  }
0x4c: {  	_ =	shalt  }
0x4d: {  	_ =	shalt  }
0x4e: {  	_ =	shalt  }
0x4f: {  	_ =	shalt  }
0x50: {  	_ =	shalt  }
0x51: {  	_ =	shalt  }
0x52: {  	_ =	shalt  }
0x53: {  	_ =	shalt  }
0x54: {  	_ =	shalt  }
0x55: {  	_ =	shalt  }
0x56: {  	_ =	shalt  }
0x57: {  	_ =	shalt  }
0x58: {  	_ =	shalt  }
0x59: {  	_ =	shalt  }
0x5a: {  	_ =	shalt  }
0x5b: {  	_ =	shalt  }
0x5c: {  	_ =	shalt  }
0x5d: {  	_ =	shalt  }
0x5e: {  	_ =	shalt  }
0x5f: {  	_ =	shalt  }
0x60: {  	_ =	shalt  }
0x61: {  	_ =	shalt  }
0x62: {  	_ =	shalt  }
0x63: {  	_ =	shalt  }
0x64: {  	_ =	shalt  }
0x65: {  	_ =	shalt  }
0x66: {  	_ =	shalt  }
0x67: {  	_ =	shalt  }
0x68: {  	_ =	shalt  }
0x69: {  	_ =	shalt  }
0x6a: {  	_ =	shalt  }
0x6b: {  	_ =	shalt  }
0x6c: {  	_ =	shalt  }
0x6d: {  	_ =	shalt  }
0x6e: {  	_ =	shalt  }
0x6f: {  	_ =	shalt  }
0x70: {  	_ =	shalt  }
0x71: {  	_ =	shalt  }
0x72: {  	_ =	shalt  }
0x73: {  	_ =	shalt  }
0x74: {  	_ =	shalt  }
0x75: {  	_ =	shalt  }
0x76: {  	_ =	shalt  }
0x77: {  	_ =	shalt  }
0x78: {  	_ =	shalt  }
0x79: {  	_ =	shalt  }
0x7a: {  	_ =	shalt  }
0x7b: {  	_ =	shalt  }
0x7c: {  	_ =	shalt  }
0x7d: {  	_ =	shalt  }
0x7e: {  	_ =	shalt  }
0x7f: {  	_ =	shalt  }
0x80: {  	_ =	shalt  }
0x81: {  	_ =	shalt  }
0x82: {  	_ =	shalt  }
0x83: {  	_ =	shalt  }
0x84: {  	_ =	shalt  }
0x85: {  	_ =	shalt  }
0x86: {  	_ =	shalt  }
0x87: {  	_ =	shalt  }
.Lfunc_end0:
.L_simem_size_0:
called_computation_lowered:
.L_overlay_start_0:
0x88: {  	s2 =	sld [smem:$0x3FD9]  }
0x89: {  	s3 =	sld [smem:$0x3FFE];
	_ =	sdelay $0x1  }
0x8a: {  	s1 =	srdreg.scid  }
0x8b: {  	s0 =	sand.u32 $0x1, s1  }
0x8c: {  	s14 =	sshll.u32 s0, $0xA;
	s2 =	sadd.s32 s3, s2  }
0x8d: {  	s2 =	sadd.s32 s2, s14  }
0x8e: {  	[smem:$0x3FC5] =	sst s2  }
0x8f: {  	_ = 	snop  }
0x90: {  	s2 =	sld [smem:$0x3FD0];
	_ =	sdelay $0x2  }
0x91: {  	s15 =	simm.s32 $0xA;
	s4 =	simm.s32 $0x10  }
0x92: {  	[smem:s4], [sflag:s15] =	dma.local [hbm:s2], $0x1  }
0x93: {  	_ =	swait.eq [sflag:s15], $0x1  }
0x94: {  	[sflag:s15] =	ssyncset.done $0x0  }
0x95: {  	s16 =	sld [smem:$0x10];
	[sflag:s15] =	ssyncadd.s32 $0xFFFFFFFF  }
0x96: {  	s17 =	sld [smem:$0x11];
	(tm) =	ssettm $0x1  }
0x97: {  	s18 =	sld [smem:$0x3FFB];
	_ =	sdelay $0x3  }
0x98: {  	_ =	strace s18  }
0x99: {  	s4 =	sld [smem:$0x3FFC];
	_ =	sdelay $0x3  }
0x9a: {  	_ =	strace s4  }
0x9b: {  	s4 =	sld [smem:$0x3FFD];
	_ =	sdelay $0x3  }
0x9c: {  	_ =	strace s4  }
0x9d: {  	_ =	strace $0x8FFFFFFF  }
0x9e: {  	s19 =	sld [smem:$0x3FDB];
	_ =	sdelay $0x1  }
0x9f: {  	s5 =	simm.s32 $_scs_section_size  }
0xa0: {  	s6 =	simm.s32 $_size__tile_overlayer_lowered;
	s7 =	simm.s32 $_tile_overlayer_lowered  }
0xa1: {  	s22 =	simm.s32 $0x1BFF;
	s21 =	sshll.u32 s7, $0x1;
	s4 =	sadd.s32 s5, s19  }
0xa2: {  	s8 =	simm.s32 $0x0;
	s20 =	sshll.u32 s6, $0x1;
	s6 =	sadd.s32 s21, s4  }
0xa3: {  	[timem:s8], [sflag:s22] =	dma.local [hbm:s6], s20  }
0xa4: {  	_ =	swait.ge [sflag:s22], s20  }
0xa5: {  	s5 =	ssub.s32 $0x0, s20;
	[sflag:s22] =	ssyncset.done $0x0  }
0xa6: {  	[sflag:s22] =	ssyncadd.s32 s5;
	_ =	sdelay $0x1  }
0xa7: {  	s23 =	simm.s32 $0x1B8B  }
0xa8: {  	_ =	swait.ge [sflag:s23], $0x1  }
0xa9: {  	[sflag:s23] =	ssyncset.done $0x0  }
0xaa: {  	s25 =	simm.s32 $0x1B8E;
	s24 =	sld [smem:$0x3FFE];
	[sflag:s23] =	ssyncadd.s32 $0xFFFFFFFF  }
0xab: {  	s26 =	simm.s32 $execute0_lowered;
	[smem:$0x3FD2] =	sst s25  }
0xac: {  	s6 =	sshll.u32 s26, $0x1;
	_ =	strace $0x80000046;
	[dreg:$0x1] =	wrdreg $0xFFFFFFFF  }
0xad: {  	s28 =	simm.s32 $_size_execute0_lowered;
	s4 =	sadd.s32 s4, s6;
	[dreg:$0x0] =	wrdreg $0x0  }
0xae: {  	s6 =	sshll.u32 s28, $0x1;
	[dreg:$0x2] =	wrdreg s4  }
0xaf: {  	[dreg:$0x3] =	wrdreg s6  }
0xb0: {  	[dreg:$0x4] =	wrdreg $0xC0  }
0xb1: {  	_ =	task [dreg:s8], $0x5FFFF  }
0xb2: {  	[dreg:$0x1] =	wrdreg $0xFFFFFFFF  }
0xb3: {  	[dreg:$0x0] =	wrdreg $0x60  }
0xb4: {  	[dreg:$0x2] =	wrdreg s16  }
0xb5: {  	[dreg:$0x3] =	wrdreg s24  }
0xb6: {  	[dreg:$0x4] =	wrdreg s17  }
0xb7: {  	[dreg:$0x5] =	wrdreg $0x10000  }
0xb8: {  	[dreg:$0x6] =	wrdreg $0x0  }
0xb9: {  	[dreg:$0x7] =	wrdreg $0x9  }
0xba: {  	_ =	task.clear_ibuf [dreg:s8], $0x8FFFF;
	_ =	strace $0x90000046  }
0xbb: {  	s29 =	simm.s32 $0x9;
	_ =	strace $0x80000048  }
0xbc: {  	_ =	swait.ge [sflag:s29], $0x1  }
0xbd: {  	[sflag:s29] =	ssyncadd.s32 $0xFFFFFFFF  }
0xbe: {  	_ =	strace $0x90000048  }
0xbf: {  	_ =	sfence  }
0xc0: {  	s30 =	sld [smem:$0x0];
	_ =	sdelay $0x2  }
0xc1: {  	s31 =	sshll.u32 s1, $0xD;
	s1 =	sshrl.u32 s1, $0x2  }
0xc2: {  	s3 =	sand.u32 $0x4000, s31;
	s1 =	sadd.s32 s1, s30  }
0xc3: {  	s0 =	sor.u32 s3, s0;
	s1 =	sshll.u32 s1, $0x11  }
0xc4: {  	s0 =	sor.u32 s1, s0  }
0xc5: {  	s0 =	sadd.s32 $0x8F2B, s0  }
0xc6: {  	[sflag:s0] =	ssyncadd.remote.s32 $0x1  }
0xc7: {  	_ =	sfence.sel $0xFFFF  }
0xc8: {  	[dreg:$0x0] =	wrdreg $0xFFFFFFFF;
	(pc) =	sbr.abs _section_cstart, $3  }
0xc9: {  	[dreg:$0x1] =	wrdreg $0xFFFFFFFF  }
0xca: {  	_ =	task.clear_ibuf [dreg:s8], $0x2FFFF;
	_ =	strace $0x9FFFFFFF  }
0xcb: {  	(tm) =	ssettm $0x7FFFFFFF  }
tec
execute0_lowered:
.L_overlay_start_1:
0x0: {  	(tag) =	ssettag $0x1  }
0x1: {  	s5 =	rddreg [dreg:$0x0]  }
0x2: {  	s6 =	rddreg [dreg:$0x1]  }
0x3: {  	s9 =	rddreg [dreg:$0x2]  }
0x4: {  	s1 =	rddreg [dreg:$0x3]  }
0x5: {  	s2 =	rddreg [dreg:$0x4]  }
0x6: {  	s0 =	rddreg [dreg:$0x5]  }
0x7: {  	s20 =	stileid.u32;
	s7 =	srdreg.scid;
	s3 =	simm.s32 $0x0  }
0x8: {  	s16 =	simm.s32 $0x3008;
	s17 =	simm.s32 $0x1000;
	s18 =	simm.s32 $0x4008  }
0x9: {  	s19 =	simm.s32 $0x1;
	s8 =	sshll.u32 s20, $0xC;
	s4 =	sshll.u32 s20, $0x7  }
0xa: {  	s10 =	sand.u32 $0x1, s7;
	[smem:$0x7FF] =	sst s3;
	s15 =	sadd.s32 $0x7200, s6  }
0xb: {  	s31 =	sshll.u32 s20, $0x9;
	s21 =	sshll.u32 s20, $0x6;
	s4 =	sor.u32 s4, s8  }
0xc: {  	s7 =	sshll.u32 s10, $0x10;
	_ =	strace $0x80000047;
	s30 =	ssub.s32 $0x2, s10  }
0xd: {  	p0 =	seq.s32 s10, $0x1;
	s22 =	sadd.s32 s8, s2;
	s21 =	sor.u32 $0x1C02, s21  }
0xe: {  	s4 =	sand.u32 $0x8380, s4;
	s14 =	sshrl.u32 s30, $0x1;
	s15 =	smov.u32 @p0 s9  }
0xf: {  	p0 =	sne.s32 s20, $0x0;
	s20 =	simm.s32 $0x5008;
	s22 =	sshrl.u32 s22, $0x3  }
0x10: {  	s7 =	sor.u32 s7, s4;
	s11 =	sshrl.u32 s4, $0x3;
	s4 =	sadd.s32 $0x1000, s6  }
0x11: {  	s14 =	ssub.s32 s30, s14;
	s9 =	sadd.s32 s15, s31;
	s10 =	sshrl.u32 @!p0 s1, $0x3  }
0x12: {  	s15 =	simm.s32 $0x2008;
	s29 =	sshrl.u32 s7, $0x3;
	s12 =	sadd.s32 s11, s6  }
0x13: {  	s5 =	sadd.s32 s5, s11;
	s8 =	smax.u32 s14, $0x1;
	s11 =	simm.s32 $0x80  }
0x14: {  	s14 =	simm.s32 $0x2;
	s13 =	sadd.s32 s29, s6;
	s6 =	sadd.s32 $0x1200, s12  }
0x15: {  	s12 =	simm.s32 $0x400;
	s7 =	sadd.s32 $0x3200, s13;
	s13 =	simm.s32 $0x1008  }
.LBB2_1:
0x16: {  	s23 =	simm.s32 @!p0 $0x1C02  }
0x17: {  	[spmem:s10], [sflag:s23] =	dma.local @!p0 [hbm:s4], $0x10  }
0x18: {  	s23 =	simm.s32 @!p0 $0x2  }
0x19: {  	_ =	swait.ge @!p0 [sflag:s23], $0x10  }
0x1a: {  	[sflag:s23] =	ssyncset.done @!p0 $0x0  }
0x1b: {  	[sflag:s23] =	ssyncadd.s32 @!p0 $0xFFFFFFF0  }
0x1c: {  	[tilespmem:s13], [sflag:$0x2] =	stream.strided.gather [hbm4b:s5+s11], $0x1000, s12, s11, $0x38;
	[tilespmem:$0x6008] =	vst v63  }
0x1d: {  	_ =	swait.ge [sflag:s14], $0x1000  }
0x1e: {  	[sflag:s14] =	ssyncset.done $0x0  }
0x1f: {  	[sflag:s14] =	ssyncadd.s32 $0xFFFFF000  }
0x20: {  	[tilespmem:s15], [sflag:$0x2] =	stream.strided.gather [hbm4b:s6+s11], $0x1000, s12, s11, $0x38;
	[tilespmem:$0x6008] =	vst v63  }
0x21: {  	_ =	swait.ge [sflag:s14], $0x1000  }
0x22: {  	[sflag:s14] =	ssyncset.done $0x0  }
0x23: {  	[sflag:s14] =	ssyncadd.s32 $0xFFFFF000  }
0x24: {  	[tilespmem:s16], [sflag:$0x2] =	stream.strided.gather [hbm4b:s7+s11], $0x1000, s12, s11, $0x38;
	[tilespmem:$0x6008] =	vst v63  }
0x25: {  	_ =	swait.ge [sflag:s14], $0x1000  }
0x26: {  	[sflag:s14] =	ssyncset.done $0x0  }
0x27: {  	[sflag:s14] =	ssyncadd.s32 $0xFFFFF000  }
0x28: {  	[bflag:$0x0] =	sbarrier.arrive $0xFFFF  }
0x29: {  	[tilespmem:s18], [sflag:$0x1] =	stream.indirect.gather [spmem:s1], $0x1, s13, s17, $0xb8;
	[tilespmem:$0x6008] =	vst v63  }
0x2a: {  	_ =	swait.ge [sflag:s19], $0x1000  }
0x2b: {  	[sflag:s19] =	ssyncset.done $0x0  }
0x2c: {  	s23 =	simm.s32 $0x0;
	[sflag:s19] =	ssyncadd.s32 $0xFFFFF000  }
0x2d: {  	v0 =	vld [tilespmem:s23+$0x2008]  }
0x2e: {  	s24 =	simm.s32 $0x40;
	v1 =	vld [tilespmem:s23+$0x4008]  }
.LBB2_2:
0x2f: {  	p1 =	sne.s32 s24, $0x3FC0  }
.Ltmp0:
0x30: {  	_ = 	snop;
	(pc) =	sbr.rel @p1 .LBB2_2-.Ltmp0, $4  }
0x31: {  	_ = 	snop  }
0x32: {  	s25 =	sshra.s32 s24, $0x2  }
0x33: {  	s24 =	sadd.s32 $0x40, s24;
	v2 =	vadd.s32 v0, v1;
	v0 =	vld [tilespmem:s25+$0x2008]  }
0x34: {  	v1 =	vld [tilespmem:s25+$0x4008];
	[tilespmem:s23+$0x5008] =	vst v2;
	s23 =	smov.u32 s25  }
0x35: {  	_ =	sdelay $0x3  }
0x36: {  	v0 =	vadd.s32 v0, v1  }
0x37: {  	[tilespmem:s23+$0x5008] =	vst v0  }
0x38: {  	[spmem:s2] =	stream.indirect.scatter [tilespmem:s16], [sflag:$0x1], $0x1, s20, s17, $0xb8;
	[tilespmem:$0x6008] =	vst v63  }
0x39: {  	_ =	swait.ge [sflag:s19], $0x1000  }
0x3a: {  	s3 =	sadd.s32 $0x1, s3;
	[sflag:s19] =	ssyncset.done $0x0  }
0x3b: {  	p1 =	sne.s32 s3, s8;
	[sflag:s19] =	ssyncadd.s32 $0xFFFFF000  }
.Ltmp1:
0x3c: {  	[bflag:$0x0] =	sbarrier.arrive $0xFFFF;
	(pc) =	sbr.rel @p1 .LBB2_1-.Ltmp1, $4  }
0x3d: {  	[hbm:s9], [sflag:s21] =	dma.local [spmem:s22], $0x200  }
0x3e: {  	_ =	swait.ge [sflag:s14], $0x200  }
0x3f: {  	[sflag:s14] =	ssyncset.done $0x0  }
0x40: {  	[sflag:s14] =	ssyncadd.s32 $0xFFFFFE00  }
0x41: {  	_ =	sfence.sel $0x180000  }
0x42: {  	[bflag:$0x0] =	sbarrier.arrive $0xFFFF  }
0x43: {  	_ =	strace $0x90000047  }
0x44: {  	s0 =	sadd.s32 @!p0 $0x100000, s0;
	[bflag:$0x2] =	sbarrier.arrive $0xFFFF  }
0x45: {  	[sflag:s0] =	ssyncadd.tile.s32 @!p0 $0x1;
	_ =	shalt  }
.Lfunc_end2:
_tile_overlayer_lowered:
.L_overlay_start_2:
0x46: {  	(tag) =	ssettag $0x2  }
0x47: {  	s0 =	rddreg [dreg:$0x0];
	s2 =	stileid.u32  }
0x48: {  	s1 =	rddreg [dreg:$0x1];
	p0 =	sne.s32 s2, $0x0  }
0x49: {  	s3 =	rddreg [dreg:$0x2];
	[bflag:$0x3] =	sbarrier.arrive $0xFFFF;
	s2 =	simm.s32 @!p0 $0x1C02  }
0x4a: {  	[timem:s3], [sflag:s2] =	dma.local @!p0 [hbm:s0], s1  }
0x4b: {  	s0 =	simm.s32 @!p0 $0x2  }
0x4c: {  	_ =	swait.ge @!p0 [sflag:s0], s1  }
0x4d: {  	s1 =	ssub.s32 @!p0 $0x0, s1;
	[sflag:s0] =	ssyncset.done @!p0 $0x0  }
0x4e: {  	[sflag:s0] =	ssyncadd.s32 @!p0 s1  }
0x4f: {  	[bflag:$0x3] =	sbarrier.arrive $0xFFFF  }
0x50: {  	_ =	shalt  }

</sc_bundles>
